<compile_context>
chip_gen: v7x
topology: tpu7x:2x2x1
jax: 0.10.2.dev20260603
libtpu: 0.0.44.dev20260713+nightly
codegen_flags: <defaults>
</compile_context>

<pallas_src>
import functools

import jax
import jax.numpy as jnp
from jax import lax
from jax.experimental import pallas as pl
from jax.experimental.pallas import tpu as pltpu
from jax.experimental.pallas import tpu_sc as plsc

NBINS = 2048
NCLS = 19
NC, NS, L = 2, 16, 16
NW = NC * NS
NROWS = 2 * NCLS
HSIZE = NROWS * NBINS
UNROLL = 8


def _sc_hist(pred3, lbl2):
    B, C, HW = pred3.shape
    CH = (B * HW) // NW
    per_b = HW // CH
    mesh = plsc.VectorSubcoreMesh(core_axis_name="c", subcore_axis_name="s")

    @functools.partial(
        pl.kernel,
        mesh=mesh,
        out_type=jax.ShapeDtypeStruct((NW, NROWS, NBINS), jnp.float32),
        scratch_types=[
            pltpu.VMEM((HSIZE,), jnp.float32),
            pltpu.VMEM((CH,), jnp.int32),
            pltpu.VMEM((CH,), jnp.float32),
            pltpu.SemaphoreType.DMA,
        ],
        compiler_params=pltpu.CompilerParams(needs_layout_passes=False),
    )
    def hist_kernel(pred_hbm, lbl_hbm, out_hbm, histv, lblv, predv, dsem):
        wid = lax.axis_index("s") * NC + lax.axis_index("c")
        b = wid // per_b
        h0 = (wid % per_b) * CH

        zero16 = jnp.zeros((L,), jnp.float32)
        one16 = jnp.ones((L,), jnp.float32)

        @functools.partial(plsc.parallel_loop, 0, HSIZE // L, unroll=UNROLL)
        def _zero(i):
            histv[pl.ds(i * L, L)] = zero16

        pltpu.sync_copy(lbl_hbm.at[b, pl.ds(h0, CH)], lblv)

        def cbody(c, _):
            pltpu.sync_copy(pred_hbm.at[b, c, pl.ds(h0, CH)], predv)
            hbase = c * NBINS
            gbase = (NCLS + c) * NBINS

            @functools.partial(plsc.parallel_loop, 0, CH // L,
                               unroll=UNROLL)
            def _accum(i):
                off = i * L
                p = predv[pl.ds(off, L)]
                lb = lblv[pl.ds(off, L)]
                bi = jnp.minimum((p * float(NBINS)).astype(jnp.int32),
                                 NBINS - 1)
                base = jnp.where(lb == c, gbase, hbase)
                plsc.addupdate_scatter(histv, [base + bi], one16)

            return 0

        lax.fori_loop(0, C, cbody, 0)

        copies = [
            pltpu.async_copy(histv.at[pl.ds(r * NBINS, NBINS)],
                             out_hbm.at[wid, r], dsem)
            for r in range(NROWS)
        ]
        for cp in copies:
            cp.wait()

    return hist_kernel(pred3, lbl2)


def _tc_finish(hist3):

    def body(h_ref, out_ref):
        s = jnp.sum(h_ref[...], axis=0)
        n0 = s[:NCLS]
        gsum = s[NCLS:]
        row = lax.broadcasted_iota(jnp.int32, (NBINS, NBINS), 0)
        col = lax.broadcasted_iota(jnp.int32, (NBINS, NBINS), 1)
        tri = (row <= col).astype(jnp.float32)
        trir = (row + col >= NBINS - 1).astype(jnp.float32)
        dn = (((1,), (0,)), ((), ()))
        cum0 = lax.dot_general(n0, tri, dn, precision=lax.Precision.HIGHEST,
                               preferred_element_type=jnp.float32)
        cum1 = lax.dot_general(gsum, trir, dn,
                               precision=lax.Precision.HIGHEST,
                               preferred_element_type=jnp.float32)
        n1 = cum1 - jnp.concatenate(
            [jnp.zeros((NCLS, 1), jnp.float32), cum1[:, :NBINS - 1]], axis=1)
        tot0 = jnp.sum(n0, axis=1, keepdims=True)
        tot1 = jnp.sum(gsum, axis=1, keepdims=True)
        gts = tot1
        above0 = tot0 - cum0
        above1 = tot1 - cum1
        i_start = above0 + above1
        u_start = gts + above0
        j_start = i_start / jnp.maximum(u_start, 1.0)
        u_mid = u_start + n0
        j_mid = (i_start + n0) / jnp.maximum(u_mid, 1.0)
        center = (lax.broadcasted_iota(jnp.int32, (NCLS, NBINS), 1)
                  .astype(jnp.float32) + 0.5) * (1.0 / NBINS)
        contrib = center * ((j_mid - j_start) + n1 / jnp.maximum(u_mid, 1.0))
        loss_c = jnp.sum(contrib, axis=1, keepdims=True)
        pres = (gts > 0.0).astype(jnp.float32)
        npres = jnp.maximum(jnp.sum(pres, axis=0, keepdims=True), 1.0)
        num = jnp.sum(loss_c * pres, axis=0, keepdims=True)
        out_ref[...] = num / npres

    return pl.pallas_call(
        body,
        out_shape=jax.ShapeDtypeStruct((1, 1), jnp.float32),
    )(hist3)


def kernel(pred, lbl):
    B, C, H, W = pred.shape
    pred3 = pred.reshape(B, C, H * W)
    lbl2 = lbl.reshape(B, H * W).astype(jnp.int32)
    loss = _tc_finish(_sc_hist(pred3, lbl2))
    return loss.reshape(())

# --- scband reference (transcript-rebuilt; emitter-appended) ---
"""Pipeline reference for scband-lovasz-softmax-24773371363469 (READ-ONLY COPY).

The authoritative reference and input builder live on the scoring server;
editing this copy changes nothing except your own understanding.
"""

import jax, jax.numpy as jnp
import numpy as np


def lovasz_grad(gt_sorted):
    gts = jnp.sum(gt_sorted)
    intersection = gts - jnp.cumsum(gt_sorted)
    union = gts + jnp.cumsum(1.0 - gt_sorted)
    jaccard = 1.0 - intersection / union
    jaccard = jnp.concatenate([jaccard[:1], jaccard[1:] - jaccard[:-1]])
    return jaccard


def setup_inputs(seed: int = 0) -> dict:
    key = jax.random.key(seed)
    k1, k2 = jax.random.split(key)
    pred = jax.random.uniform(k1, (4, 19, 384, 384), dtype=jnp.float32)
    lbl = jax.random.randint(k2, (4, 384, 384), 0, 19, dtype=jnp.int64)
    return {"pred": pred, "lbl": lbl}


def reference(pred, lbl):
    # flatten_probas (ignore=None): [B,C,H,W] -> [P,C], labels -> [P]
    B, C, H, W = pred.shape
    probas = jnp.transpose(pred, (0, 2, 3, 1)).reshape(-1, C)
    labels = lbl.reshape(-1)
    # lovasz_softmax_flat with classes='present'
    losses = []
    present = []
    for c in range(C):
        fg = (labels == c).astype(jnp.float32)
        class_pred = probas[:, c]
        errors = jnp.abs(fg - class_pred)
        perm = jnp.argsort(-errors)  # descending sort order
        errors_sorted = errors[perm]
        fg_sorted = fg[perm]
        g = lovasz_grad(fg_sorted)
        losses.append(jnp.dot(errors_sorted, g))
        present.append(jnp.sum(fg) > 0)
    losses = jnp.stack(losses)
    present = jnp.stack(present)
    n_present = jnp.maximum(jnp.sum(present.astype(jnp.float32)), 1.0)
    loss = jnp.sum(jnp.where(present, losses, 0.0)) / n_present
    return loss

if __name__ == "__main__":
    import jax
    _d = setup_inputs()
    print(jax.jit(kernel)(*tuple(_d.values())))

</pallas_src>

<mosaic_0001>
#map = affine_map<(d0, d1) -> (0, 0, 0)>
#map1 = affine_map<(d0, d1) -> (0, 0)>
module attributes {stable_mosaic.version = 14 : i64} {
  func.func @hist_kernel(%arg0: i32, %arg1: i32, %arg2: memref<4x19x147456xf32, #tpu.memory_space<hbm>>, %arg3: memref<4x147456xi32, #tpu.memory_space<hbm>>, %arg4: memref<32x38x2048xf32, #tpu.memory_space<hbm>>, %arg5: memref<77824xf32, #tpu.memory_space<vmem>>, %arg6: memref<18432xi32, #tpu.memory_space<vmem>>, %arg7: memref<18432xf32, #tpu.memory_space<vmem>>, %arg8: memref<!tpu.dma_semaphore, #tpu.memory_space<semaphore_mem>>) attributes {dimension_semantics = [#tpu.dimension_semantics<core_parallel>, #tpu.dimension_semantics<subcore_parallel>], iteration_bounds = array<i64: 2, 16>, scalar_prefetch = 0 : i64, scratch_operands = 4 : i64, tpu.core_type = #tpu.core_type<sc_vector_subcore>, window_params = [{transform_indices = #map}, {transform_indices = #map1}, {transform_indices = #map}]} {
    %mul3A = arith.constant 2 : i32
    %mul3A_0 = arith.muli %arg1, %mul3A : i32
    %add3A = arith.addi %mul3A_0, %arg0 : i32
    %jit3A = arith.constant 8 : i32
    %div3A = arith.divsi %add3A, %jit3A : i32
    %sign3A = arith.constant 0 : i32
    %sign3A_1 = arith.cmpi sgt, %add3A, %sign3A : i32
    %sign3A_2 = arith.extui %sign3A_1 : i1 to i32
    %sign3A_3 = arith.constant 0 : i32
    %sign3A_4 = arith.cmpi slt, %add3A, %sign3A_3 : i32
    %sign3A_5 = arith.extui %sign3A_4 : i1 to i32
    %sign3A_6 = arith.subi %sign3A_2, %sign3A_5 : i32
    %sign3A_7 = arith.constant 0 : i32
    %sign3A_8 = arith.cmpi sgt, %jit3A, %sign3A_7 : i32
    %sign3A_9 = arith.extui %sign3A_8 : i1 to i32
    %sign3A_10 = arith.constant 0 : i32
    %sign3A_11 = arith.cmpi slt, %jit3A, %sign3A_10 : i32
    %sign3A_12 = arith.extui %sign3A_11 : i1 to i32
    %sign3A_13 = arith.subi %sign3A_9, %sign3A_12 : i32
    %ne3A = arith.cmpi ne, %sign3A_6, %sign3A_13 : i32
    %rem3A = arith.remsi %add3A, %jit3A : i32
    %ne3A_14 = arith.constant 0 : i32
    %ne3A_15 = arith.cmpi ne, %rem3A, %ne3A_14 : i32
    %and3A = arith.andi %ne3A, %ne3A_15 : i1
    %sub3A = arith.constant 1 : i32
    %sub3A_16 = arith.subi %div3A, %sub3A : i32
    %select_n3A = arith.select %and3A, %sub3A_16, %div3A : i32
    %jit3A_17 = arith.constant 8 : i32
    %eq3A = arith.constant 0 : i32
    %eq3A_18 = arith.cmpi eq, %jit3A_17, %eq3A : i32
    %jit3A_19 = arith.constant 1 : i32
    %select_n3A_20 = arith.select %eq3A_18, %jit3A_19, %jit3A_17 : i32
    %rem3A_21 = arith.remsi %add3A, %select_n3A_20 : i32
    %ne3A_22 = arith.constant 0 : i32
    %ne3A_23 = arith.cmpi ne, %rem3A_21, %ne3A_22 : i32
    %lt3A = arith.constant 0 : i32
    %lt3A_24 = arith.cmpi slt, %rem3A_21, %lt3A : i32
    %lt3A_25 = arith.constant 0 : i32
    %lt3A_26 = arith.cmpi slt, %select_n3A_20, %lt3A_25 : i32
    %ne3A_27 = arith.xori %lt3A_24, %lt3A_26 : i1
    %and3A_28 = arith.andi %ne3A_27, %ne3A_23 : i1
    %add3A_29 = arith.addi %rem3A_21, %select_n3A_20 : i32
    %select_n3A_30 = arith.select %and3A_28, %add3A_29, %rem3A_21 : i32
    %mul3A_31 = arith.constant 18432 : i32
    %mul3A_32 = arith.muli %select_n3A_30, %mul3A_31 : i32
    %broadcast_in_dim3A = arith.constant 0.000000e+00 : f32
    %broadcast_in_dim3A_33 = vector.broadcast %broadcast_in_dim3A : f32 to vector<16xf32>
    %broadcast_in_dim3A_34 = arith.constant 1.000000e+00 : f32
    %broadcast_in_dim3A_35 = vector.broadcast %broadcast_in_dim3A_34 : f32 to vector<16xf32>
    "tpu.region"() ({
      %run_scoped3A = tpu.sem_alloc : memref<!tpu.dma_semaphore, #tpu.memory_space<semaphore_mem>>
      %dma_start3A_876 = tpu.memref_slice %arg3[%select_n3A, %mul3A_32] : memref<4x147456xi32, #tpu.memory_space<hbm>> -> memref<1x18432xi32, #tpu.memory_space<hbm>>
      %dma_start3A_877 = tpu.memref_squeeze %dma_start3A_876 : memref<1x18432xi32, #tpu.memory_space<hbm>> -> memref<18432xi32, #tpu.memory_space<hbm>>
      %dma_start3A_878 = tpu.memref_slice %arg3[%select_n3A, %mul3A_32] : memref<4x147456xi32, #tpu.memory_space<hbm>> -> memref<1x18432xi32, #tpu.memory_space<hbm>>
      %dma_start3A_879 = tpu.memref_squeeze %dma_start3A_878 : memref<1x18432xi32, #tpu.memory_space<hbm>> -> memref<18432xi32, #tpu.memory_space<hbm>>
      tpu.enqueue_dma source(%dma_start3A_879 : memref<18432xi32, #tpu.memory_space<hbm>>) target(%arg6 : memref<18432xi32, #tpu.memory_space<vmem>>) target_semaphore(%run_scoped3A : memref<!tpu.dma_semaphore, #tpu.memory_space<semaphore_mem>>)
      %dma_wait3A_880 = tpu.memref_slice %arg3[%select_n3A, %mul3A_32] : memref<4x147456xi32, #tpu.memory_space<hbm>> -> memref<1x18432xi32, #tpu.memory_space<hbm>>
      %dma_wait3A_881 = tpu.memref_squeeze %dma_wait3A_880 : memref<1x18432xi32, #tpu.memory_space<hbm>> -> memref<18432xi32, #tpu.memory_space<hbm>>
      %dma_wait3A_882 = tpu.memref_slice %arg3[%select_n3A, %mul3A_32] : memref<4x147456xi32, #tpu.memory_space<hbm>> -> memref<1x18432xi32, #tpu.memory_space<hbm>>
      %dma_wait3A_883 = tpu.memref_squeeze %dma_wait3A_882 : memref<1x18432xi32, #tpu.memory_space<hbm>> -> memref<18432xi32, #tpu.memory_space<hbm>>
      tpu.wait_dma2 semaphore(%run_scoped3A : memref<!tpu.dma_semaphore, #tpu.memory_space<semaphore_mem>>) src(%dma_wait3A_883 : memref<18432xi32, #tpu.memory_space<hbm>>) dst(%arg6 : memref<18432xi32, #tpu.memory_space<vmem>>)
      tpu.yield
    }) : () -> ()
    %scan3A = arith.constant 0 : i32
    %scan3A_36 = arith.constant 0 : i32
    %scan3A_37 = arith.constant 19 : i32
    %scan3A_38 = arith.addi %scan3A_36, %scan3A_37 : i32
    %scan3A_39 = arith.constant 1 : i32
    %scan3A_40 = scf.for %scan3A_876 = %scan3A_36 to %scan3A_38 step %scan3A_39 iter_args(%scan3A_877 = %scan3A) -> (i32)  : i32 {
      "tpu.region"() ({
        %run_scoped3A = tpu.sem_alloc : memref<!tpu.dma_semaphore, #tpu.memory_space<semaphore_mem>>
        %dma_start3A_885 = tpu.memref_slice %arg2[%select_n3A, %scan3A_876, %mul3A_32] : memref<4x19x147456xf32, #tpu.memory_space<hbm>> -> memref<1x1x18432xf32, #tpu.memory_space<hbm>>
        %dma_start3A_886 = tpu.memref_squeeze %dma_start3A_885 : memref<1x1x18432xf32, #tpu.memory_space<hbm>> -> memref<18432xf32, #tpu.memory_space<hbm>>
        %dma_start3A_887 = tpu.memref_slice %arg2[%select_n3A, %scan3A_876, %mul3A_32] : memref<4x19x147456xf32, #tpu.memory_space<hbm>> -> memref<1x1x18432xf32, #tpu.memory_space<hbm>>
        %dma_start3A_888 = tpu.memref_squeeze %dma_start3A_887 : memref<1x1x18432xf32, #tpu.memory_space<hbm>> -> memref<18432xf32, #tpu.memory_space<hbm>>
        tpu.enqueue_dma source(%dma_start3A_888 : memref<18432xf32, #tpu.memory_space<hbm>>) target(%arg7 : memref<18432xf32, #tpu.memory_space<vmem>>) target_semaphore(%run_scoped3A : memref<!tpu.dma_semaphore, #tpu.memory_space<semaphore_mem>>)
        %dma_wait3A_889 = tpu.memref_slice %arg2[%select_n3A, %scan3A_876, %mul3A_32] : memref<4x19x147456xf32, #tpu.memory_space<hbm>> -> memref<1x1x18432xf32, #tpu.memory_space<hbm>>
        %dma_wait3A_890 = tpu.memref_squeeze %dma_wait3A_889 : memref<1x1x18432xf32, #tpu.memory_space<hbm>> -> memref<18432xf32, #tpu.memory_space<hbm>>
        %dma_wait3A_891 = tpu.memref_slice %arg2[%select_n3A, %scan3A_876, %mul3A_32] : memref<4x19x147456xf32, #tpu.memory_space<hbm>> -> memref<1x1x18432xf32, #tpu.memory_space<hbm>>
        %dma_wait3A_892 = tpu.memref_squeeze %dma_wait3A_891 : memref<1x1x18432xf32, #tpu.memory_space<hbm>> -> memref<18432xf32, #tpu.memory_space<hbm>>
        tpu.wait_dma2 semaphore(%run_scoped3A : memref<!tpu.dma_semaphore, #tpu.memory_space<semaphore_mem>>) src(%dma_wait3A_892 : memref<18432xf32, #tpu.memory_space<hbm>>) dst(%arg7 : memref<18432xf32, #tpu.memory_space<vmem>>)
        tpu.yield
      }) : () -> ()
      %mul3A_878 = arith.constant 2048 : i32
      %mul3A_879 = arith.muli %scan3A_876, %mul3A_878 : i32
      %add3A_880 = arith.constant 19 : i32
      %add3A_881 = arith.addi %add3A_880, %scan3A_876 : i32
      %mul3A_882 = arith.constant 2048 : i32
      %mul3A_883 = arith.muli %add3A_881, %mul3A_882 : i32
      %scan3A_884 = arith.constant 0 : i32
      scf.yield %scan3A_884 : i32
    }
    %scan3A_41 = arith.constant 19 : i32
    %dma_start3A = arith.constant 0 : i32
    %dma_start3A_42 = arith.constant 0 : i32
    %dma_start3A_43 = tpu.memref_slice %arg5[%dma_start3A_42] : memref<77824xf32, #tpu.memory_space<vmem>> -> memref<2048xf32, #tpu.memory_space<vmem>>
    %dma_start3A_44 = arith.constant 0 : i32
    %dma_start3A_45 = tpu.memref_slice %arg4[%add3A, %dma_start3A, %dma_start3A_44] : memref<32x38x2048xf32, #tpu.memory_space<hbm>> -> memref<1x1x2048xf32, #tpu.memory_space<hbm>>
    %dma_start3A_46 = tpu.memref_squeeze %dma_start3A_45 : memref<1x1x2048xf32, #tpu.memory_space<hbm>> -> memref<2048xf32, #tpu.memory_space<hbm>>
    %dma_start3A_47 = arith.constant 0 : i32
    %dma_start3A_48 = tpu.memref_slice %arg4[%add3A, %dma_start3A, %dma_start3A_47] : memref<32x38x2048xf32, #tpu.memory_space<hbm>> -> memref<1x1x2048xf32, #tpu.memory_space<hbm>>
    %dma_start3A_49 = tpu.memref_squeeze %dma_start3A_48 : memref<1x1x2048xf32, #tpu.memory_space<hbm>> -> memref<2048xf32, #tpu.memory_space<hbm>>
    %dma_start3A_50 = arith.constant 0 : i32
    %dma_start3A_51 = tpu.memref_slice %arg5[%dma_start3A_50] : memref<77824xf32, #tpu.memory_space<vmem>> -> memref<2048xf32, #tpu.memory_space<vmem>>
    tpu.enqueue_dma source(%dma_start3A_51 : memref<2048xf32, #tpu.memory_space<vmem>>) target(%dma_start3A_49 : memref<2048xf32, #tpu.memory_space<hbm>>) target_semaphore(%arg8 : memref<!tpu.dma_semaphore, #tpu.memory_space<semaphore_mem>>)
    %dma_start3A_52 = arith.constant 1 : i32
    %dma_start3A_53 = arith.constant 2048 : i32
    %dma_start3A_54 = tpu.memref_slice %arg5[%dma_start3A_53] : memref<77824xf32, #tpu.memory_space<vmem>> -> memref<2048xf32, #tpu.memory_space<vmem>>
    %dma_start3A_55 = arith.constant 0 : i32
    %dma_start3A_56 = tpu.memref_slice %arg4[%add3A, %dma_start3A_52, %dma_start3A_55] : memref<32x38x2048xf32, #tpu.memory_space<hbm>> -> memref<1x1x2048xf32, #tpu.memory_space<hbm>>
    %dma_start3A_57 = tpu.memref_squeeze %dma_start3A_56 : memref<1x1x2048xf32, #tpu.memory_space<hbm>> -> memref<2048xf32, #tpu.memory_space<hbm>>
    %dma_start3A_58 = arith.constant 0 : i32
    %dma_start3A_59 = tpu.memref_slice %arg4[%add3A, %dma_start3A_52, %dma_start3A_58] : memref<32x38x2048xf32, #tpu.memory_space<hbm>> -> memref<1x1x2048xf32, #tpu.memory_space<hbm>>
    %dma_start3A_60 = tpu.memref_squeeze %dma_start3A_59 : memref<1x1x2048xf32, #tpu.memory_space<hbm>> -> memref<2048xf32, #tpu.memory_space<hbm>>
    %dma_start3A_61 = arith.constant 2048 : i32
    %dma_start3A_62 = tpu.memref_slice %arg5[%dma_start3A_61] : memref<77824xf32, #tpu.memory_space<vmem>> -> memref<2048xf32, #tpu.memory_space<vmem>>
    tpu.enqueue_dma source(%dma_start3A_62 : memref<2048xf32, #tpu.memory_space<vmem>>) target(%dma_start3A_60 : memref<2048xf32, #tpu.memory_space<hbm>>) target_semaphore(%arg8 : memref<!tpu.dma_semaphore, #tpu.memory_space<semaphore_mem>>)
    %dma_start3A_63 = arith.constant 2 : i32
    %dma_start3A_64 = arith.constant 4096 : i32
    %dma_start3A_65 = tpu.memref_slice %arg5[%dma_start3A_64] : memref<77824xf32, #tpu.memory_space<vmem>> -> memref<2048xf32, #tpu.memory_space<vmem>>
    %dma_start3A_66 = arith.constant 0 : i32
    %dma_start3A_67 = tpu.memref_slice %arg4[%add3A, %dma_start3A_63, %dma_start3A_66] : memref<32x38x2048xf32, #tpu.memory_space<hbm>> -> memref<1x1x2048xf32, #tpu.memory_space<hbm>>
    %dma_start3A_68 = tpu.memref_squeeze %dma_start3A_67 : memref<1x1x2048xf32, #tpu.memory_space<hbm>> -> memref<2048xf32, #tpu.memory_space<hbm>>
    %dma_start3A_69 = arith.constant 0 : i32
    %dma_start3A_70 = tpu.memref_slice %arg4[%add3A, %dma_start3A_63, %dma_start3A_69] : memref<32x38x2048xf32, #tpu.memory_space<hbm>> -> memref<1x1x2048xf32, #tpu.memory_space<hbm>>
    %dma_start3A_71 = tpu.memref_squeeze %dma_start3A_70 : memref<1x1x2048xf32, #tpu.memory_space<hbm>> -> memref<2048xf32, #tpu.memory_space<hbm>>
    %dma_start3A_72 = arith.constant 4096 : i32
    %dma_start3A_73 = tpu.memref_slice %arg5[%dma_start3A_72] : memref<77824xf32, #tpu.memory_space<vmem>> -> memref<2048xf32, #tpu.memory_space<vmem>>
    tpu.enqueue_dma source(%dma_start3A_73 : memref<2048xf32, #tpu.memory_space<vmem>>) target(%dma_start3A_71 : memref<2048xf32, #tpu.memory_space<hbm>>) target_semaphore(%arg8 : memref<!tpu.dma_semaphore, #tpu.memory_space<semaphore_mem>>)
    %dma_start3A_74 = arith.constant 3 : i32
    %dma_start3A_75 = arith.constant 6144 : i32
    %dma_start3A_76 = tpu.memref_slice %arg5[%dma_start3A_75] : memref<77824xf32, #tpu.memory_space<vmem>> -> memref<2048xf32, #tpu.memory_space<vmem>>
    %dma_start3A_77 = arith.constant 0 : i32
    %dma_start3A_78 = tpu.memref_slice %arg4[%add3A, %dma_start3A_74, %dma_start3A_77] : memref<32x38x2048xf32, #tpu.memory_space<hbm>> -> memref<1x1x2048xf32, #tpu.memory_space<hbm>>
    %dma_start3A_79 = tpu.memref_squeeze %dma_start3A_78 : memref<1x1x2048xf32, #tpu.memory_space<hbm>> -> memref<2048xf32, #tpu.memory_space<hbm>>
    %dma_start3A_80 = arith.constant 0 : i32
    %dma_start3A_81 = tpu.memref_slice %arg4[%add3A, %dma_start3A_74, %dma_start3A_80] : memref<32x38x2048xf32, #tpu.memory_space<hbm>> -> memref<1x1x2048xf32, #tpu.memory_space<hbm>>
    %dma_start3A_82 = tpu.memref_squeeze %dma_start3A_81 : memref<1x1x2048xf32, #tpu.memory_space<hbm>> -> memref<2048xf32, #tpu.memory_space<hbm>>
    %dma_start3A_83 = arith.constant 6144 : i32
    %dma_start3A_84 = tpu.memref_slice %arg5[%dma_start3A_83] : memref<77824xf32, #tpu.memory_space<vmem>> -> memref<2048xf32, #tpu.memory_space<vmem>>
    tpu.enqueue_dma source(%dma_start3A_84 : memref<2048xf32, #tpu.memory_space<vmem>>) target(%dma_start3A_82 : memref<2048xf32, #tpu.memory_space<hbm>>) target_semaphore(%arg8 : memref<!tpu.dma_semaphore, #tpu.memory_space<semaphore_mem>>)
    %dma_start3A_85 = arith.constant 4 : i32
    %dma_start3A_86 = arith.constant 8192 : i32
    %dma_start3A_87 = tpu.memref_slice %arg5[%dma_start3A_86] : memref<77824xf32, #tpu.memory_space<vmem>> -> memref<2048xf32, #tpu.memory_space<vmem>>
    %dma_start3A_88 = arith.constant 0 : i32
    %dma_start3A_89 = tpu.memref_slice %arg4[%add3A, %dma_start3A_85, %dma_start3A_88] : memref<32x38x2048xf32, #tpu.memory_space<hbm>> -> memref<1x1x2048xf32, #tpu.memory_space<hbm>>
    %dma_start3A_90 = tpu.memref_squeeze %dma_start3A_89 : memref<1x1x2048xf32, #tpu.memory_space<hbm>> -> memref<2048xf32, #tpu.memory_space<hbm>>
    %dma_start3A_91 = arith.constant 0 : i32
    %dma_start3A_92 = tpu.memref_slice %arg4[%add3A, %dma_start3A_85, %dma_start3A_91] : memref<32x38x2048xf32, #tpu.memory_space<hbm>> -> memref<1x1x2048xf32, #tpu.memory_space<hbm>>
    %dma_start3A_93 = tpu.memref_squeeze %dma_start3A_92 : memref<1x1x2048xf32, #tpu.memory_space<hbm>> -> memref<2048xf32, #tpu.memory_space<hbm>>
    %dma_start3A_94 = arith.constant 8192 : i32
    %dma_start3A_95 = tpu.memref_slice %arg5[%dma_start3A_94] : memref<77824xf32, #tpu.memory_space<vmem>> -> memref<2048xf32, #tpu.memory_space<vmem>>
    tpu.enqueue_dma source(%dma_start3A_95 : memref<2048xf32, #tpu.memory_space<vmem>>) target(%dma_start3A_93 : memref<2048xf32, #tpu.memory_space<hbm>>) target_semaphore(%arg8 : memref<!tpu.dma_semaphore, #tpu.memory_space<semaphore_mem>>)
    %dma_start3A_96 = arith.constant 5 : i32
    %dma_start3A_97 = arith.constant 10240 : i32
    %dma_start3A_98 = tpu.memref_slice %arg5[%dma_start3A_97] : memref<77824xf32, #tpu.memory_space<vmem>> -> memref<2048xf32, #tpu.memory_space<vmem>>
    %dma_start3A_99 = arith.constant 0 : i32
    %dma_start3A_100 = tpu.memref_slice %arg4[%add3A, %dma_start3A_96, %dma_start3A_99] : memref<32x38x2048xf32, #tpu.memory_space<hbm>> -> memref<1x1x2048xf32, #tpu.memory_space<hbm>>
    %dma_start3A_101 = tpu.memref_squeeze %dma_start3A_100 : memref<1x1x2048xf32, #tpu.memory_space<hbm>> -> memref<2048xf32, #tpu.memory_space<hbm>>
    %dma_start3A_102 = arith.constant 0 : i32
    %dma_start3A_103 = tpu.memref_slice %arg4[%add3A, %dma_start3A_96, %dma_start3A_102] : memref<32x38x2048xf32, #tpu.memory_space<hbm>> -> memref<1x1x2048xf32, #tpu.memory_space<hbm>>
    %dma_start3A_104 = tpu.memref_squeeze %dma_start3A_103 : memref<1x1x2048xf32, #tpu.memory_space<hbm>> -> memref<2048xf32, #tpu.memory_space<hbm>>
    %dma_start3A_105 = arith.constant 10240 : i32
    %dma_start3A_106 = tpu.memref_slice %arg5[%dma_start3A_105] : memref<77824xf32, #tpu.memory_space<vmem>> -> memref<2048xf32, #tpu.memory_space<vmem>>
    tpu.enqueue_dma source(%dma_start3A_106 : memref<2048xf32, #tpu.memory_space<vmem>>) target(%dma_start3A_104 : memref<2048xf32, #tpu.memory_space<hbm>>) target_semaphore(%arg8 : memref<!tpu.dma_semaphore, #tpu.memory_space<semaphore_mem>>)
    %dma_start3A_107 = arith.constant 6 : i32
    %dma_start3A_108 = arith.constant 12288 : i32
    %dma_start3A_109 = tpu.memref_slice %arg5[%dma_start3A_108] : memref<77824xf32, #tpu.memory_space<vmem>> -> memref<2048xf32, #tpu.memory_space<vmem>>
    %dma_start3A_110 = arith.constant 0 : i32
    %dma_start3A_111 = tpu.memref_slice %arg4[%add3A, %dma_start3A_107, %dma_start3A_110] : memref<32x38x2048xf32, #tpu.memory_space<hbm>> -> memref<1x1x2048xf32, #tpu.memory_space<hbm>>
    %dma_start3A_112 = tpu.memref_squeeze %dma_start3A_111 : memref<1x1x2048xf32, #tpu.memory_space<hbm>> -> memref<2048xf32, #tpu.memory_space<hbm>>
    %dma_start3A_113 = arith.constant 0 : i32
    %dma_start3A_114 = tpu.memref_slice %arg4[%add3A, %dma_start3A_107, %dma_start3A_113] : memref<32x38x2048xf32, #tpu.memory_space<hbm>> -> memref<1x1x2048xf32, #tpu.memory_space<hbm>>
    %dma_start3A_115 = tpu.memref_squeeze %dma_start3A_114 : memref<1x1x2048xf32, #tpu.memory_space<hbm>> -> memref<2048xf32, #tpu.memory_space<hbm>>
    %dma_start3A_116 = arith.constant 12288 : i32
    %dma_start3A_117 = tpu.memref_slice %arg5[%dma_start3A_116] : memref<77824xf32, #tpu.memory_space<vmem>> -> memref<2048xf32, #tpu.memory_space<vmem>>
    tpu.enqueue_dma source(%dma_start3A_117 : memref<2048xf32, #tpu.memory_space<vmem>>) target(%dma_start3A_115 : memref<2048xf32, #tpu.memory_space<hbm>>) target_semaphore(%arg8 : memref<!tpu.dma_semaphore, #tpu.memory_space<semaphore_mem>>)
    %dma_start3A_118 = arith.constant 7 : i32
    %dma_start3A_119 = arith.constant 14336 : i32
    %dma_start3A_120 = tpu.memref_slice %arg5[%dma_start3A_119] : memref<77824xf32, #tpu.memory_space<vmem>> -> memref<2048xf32, #tpu.memory_space<vmem>>
    %dma_start3A_121 = arith.constant 0 : i32
    %dma_start3A_122 = tpu.memref_slice %arg4[%add3A, %dma_start3A_118, %dma_start3A_121] : memref<32x38x2048xf32, #tpu.memory_space<hbm>> -> memref<1x1x2048xf32, #tpu.memory_space<hbm>>
    %dma_start3A_123 = tpu.memref_squeeze %dma_start3A_122 : memref<1x1x2048xf32, #tpu.memory_space<hbm>> -> memref<2048xf32, #tpu.memory_space<hbm>>
    %dma_start3A_124 = arith.constant 0 : i32
    %dma_start3A_125 = tpu.memref_slice %arg4[%add3A, %dma_start3A_118, %dma_start3A_124] : memref<32x38x2048xf32, #tpu.memory_space<hbm>> -> memref<1x1x2048xf32, #tpu.memory_space<hbm>>
    %dma_start3A_126 = tpu.memref_squeeze %dma_start3A_125 : memref<1x1x2048xf32, #tpu.memory_space<hbm>> -> memref<2048xf32, #tpu.memory_space<hbm>>
    %dma_start3A_127 = arith.constant 14336 : i32
    %dma_start3A_128 = tpu.memref_slice %arg5[%dma_start3A_127] : memref<77824xf32, #tpu.memory_space<vmem>> -> memref<2048xf32, #tpu.memory_space<vmem>>
    tpu.enqueue_dma source(%dma_start3A_128 : memref<2048xf32, #tpu.memory_space<vmem>>) target(%dma_start3A_126 : memref<2048xf32, #tpu.memory_space<hbm>>) target_semaphore(%arg8 : memref<!tpu.dma_semaphore, #tpu.memory_space<semaphore_mem>>)
    %dma_start3A_129 = arith.constant 8 : i32
    %dma_start3A_130 = arith.constant 16384 : i32
    %dma_start3A_131 = tpu.memref_slice %arg5[%dma_start3A_130] : memref<77824xf32, #tpu.memory_space<vmem>> -> memref<2048xf32, #tpu.memory_space<vmem>>
    %dma_start3A_132 = arith.constant 0 : i32
    %dma_start3A_133 = tpu.memref_slice %arg4[%add3A, %dma_start3A_129, %dma_start3A_132] : memref<32x38x2048xf32, #tpu.memory_space<hbm>> -> memref<1x1x2048xf32, #tpu.memory_space<hbm>>
    %dma_start3A_134 = tpu.memref_squeeze %dma_start3A_133 : memref<1x1x2048xf32, #tpu.memory_space<hbm>> -> memref<2048xf32, #tpu.memory_space<hbm>>
    %dma_start3A_135 = arith.constant 0 : i32
    %dma_start3A_136 = tpu.memref_slice %arg4[%add3A, %dma_start3A_129, %dma_start3A_135] : memref<32x38x2048xf32, #tpu.memory_space<hbm>> -> memref<1x1x2048xf32, #tpu.memory_space<hbm>>
    %dma_start3A_137 = tpu.memref_squeeze %dma_start3A_136 : memref<1x1x2048xf32, #tpu.memory_space<hbm>> -> memref<2048xf32, #tpu.memory_space<hbm>>
    %dma_start3A_138 = arith.constant 16384 : i32
    %dma_start3A_139 = tpu.memref_slice %arg5[%dma_start3A_138] : memref<77824xf32, #tpu.memory_space<vmem>> -> memref<2048xf32, #tpu.memory_space<vmem>>
    tpu.enqueue_dma source(%dma_start3A_139 : memref<2048xf32, #tpu.memory_space<vmem>>) target(%dma_start3A_137 : memref<2048xf32, #tpu.memory_space<hbm>>) target_semaphore(%arg8 : memref<!tpu.dma_semaphore, #tpu.memory_space<semaphore_mem>>)
    %dma_start3A_140 = arith.constant 9 : i32
    %dma_start3A_141 = arith.constant 18432 : i32
    %dma_start3A_142 = tpu.memref_slice %arg5[%dma_start3A_141] : memref<77824xf32, #tpu.memory_space<vmem>> -> memref<2048xf32, #tpu.memory_space<vmem>>
    %dma_start3A_143 = arith.constant 0 : i32
    %dma_start3A_144 = tpu.memref_slice %arg4[%add3A, %dma_start3A_140, %dma_start3A_143] : memref<32x38x2048xf32, #tpu.memory_space<hbm>> -> memref<1x1x2048xf32, #tpu.memory_space<hbm>>
    %dma_start3A_145 = tpu.memref_squeeze %dma_start3A_144 : memref<1x1x2048xf32, #tpu.memory_space<hbm>> -> memref<2048xf32, #tpu.memory_space<hbm>>
    %dma_start3A_146 = arith.constant 0 : i32
    %dma_start3A_147 = tpu.memref_slice %arg4[%add3A, %dma_start3A_140, %dma_start3A_146] : memref<32x38x2048xf32, #tpu.memory_space<hbm>> -> memref<1x1x2048xf32, #tpu.memory_space<hbm>>
    %dma_start3A_148 = tpu.memref_squeeze %dma_start3A_147 : memref<1x1x2048xf32, #tpu.memory_space<hbm>> -> memref<2048xf32, #tpu.memory_space<hbm>>
    %dma_start3A_149 = arith.constant 18432 : i32
    %dma_start3A_150 = tpu.memref_slice %arg5[%dma_start3A_149] : memref<77824xf32, #tpu.memory_space<vmem>> -> memref<2048xf32, #tpu.memory_space<vmem>>
    tpu.enqueue_dma source(%dma_start3A_150 : memref<2048xf32, #tpu.memory_space<vmem>>) target(%dma_start3A_148 : memref<2048xf32, #tpu.memory_space<hbm>>) target_semaphore(%arg8 : memref<!tpu.dma_semaphore, #tpu.memory_space<semaphore_mem>>)
    %dma_start3A_151 = arith.constant 10 : i32
    %dma_start3A_152 = arith.constant 20480 : i32
    %dma_start3A_153 = tpu.memref_slice %arg5[%dma_start3A_152] : memref<77824xf32, #tpu.memory_space<vmem>> -> memref<2048xf32, #tpu.memory_space<vmem>>
    %dma_start3A_154 = arith.constant 0 : i32
    %dma_start3A_155 = tpu.memref_slice %arg4[%add3A, %dma_start3A_151, %dma_start3A_154] : memref<32x38x2048xf32, #tpu.memory_space<hbm>> -> memref<1x1x2048xf32, #tpu.memory_space<hbm>>
    %dma_start3A_156 = tpu.memref_squeeze %dma_start3A_155 : memref<1x1x2048xf32, #tpu.memory_space<hbm>> -> memref<2048xf32, #tpu.memory_space<hbm>>
    %dma_start3A_157 = arith.constant 0 : i32
    %dma_start3A_158 = tpu.memref_slice %arg4[%add3A, %dma_start3A_151, %dma_start3A_157] : memref<32x38x2048xf32, #tpu.memory_space<hbm>> -> memref<1x1x2048xf32, #tpu.memory_space<hbm>>
    %dma_start3A_159 = tpu.memref_squeeze %dma_start3A_158 : memref<1x1x2048xf32, #tpu.memory_space<hbm>> -> memref<2048xf32, #tpu.memory_space<hbm>>
    %dma_start3A_160 = arith.constant 20480 : i32
    %dma_start3A_161 = tpu.memref_slice %arg5[%dma_start3A_160] : memref<77824xf32, #tpu.memory_space<vmem>> -> memref<2048xf32, #tpu.memory_space<vmem>>
    tpu.enqueue_dma source(%dma_start3A_161 : memref<2048xf32, #tpu.memory_space<vmem>>) target(%dma_start3A_159 : memref<2048xf32, #tpu.memory_space<hbm>>) target_semaphore(%arg8 : memref<!tpu.dma_semaphore, #tpu.memory_space<semaphore_mem>>)
    %dma_start3A_162 = arith.constant 11 : i32
    %dma_start3A_163 = arith.constant 22528 : i32
    %dma_start3A_164 = tpu.memref_slice %arg5[%dma_start3A_163] : memref<77824xf32, #tpu.memory_space<vmem>> -> memref<2048xf32, #tpu.memory_space<vmem>>
    %dma_start3A_165 = arith.constant 0 : i32
    %dma_start3A_166 = tpu.memref_slice %arg4[%add3A, %dma_start3A_162, %dma_start3A_165] : memref<32x38x2048xf32, #tpu.memory_space<hbm>> -> memref<1x1x2048xf32, #tpu.memory_space<hbm>>
    %dma_start3A_167 = tpu.memref_squeeze %dma_start3A_166 : memref<1x1x2048xf32, #tpu.memory_space<hbm>> -> memref<2048xf32, #tpu.memory_space<hbm>>
    %dma_start3A_168 = arith.constant 0 : i32
    %dma_start3A_169 = tpu.memref_slice %arg4[%add3A, %dma_start3A_162, %dma_start3A_168] : memref<32x38x2048xf32, #tpu.memory_space<hbm>> -> memref<1x1x2048xf32, #tpu.memory_space<hbm>>
    %dma_start3A_170 = tpu.memref_squeeze %dma_start3A_169 : memref<1x1x2048xf32, #tpu.memory_space<hbm>> -> memref<2048xf32, #tpu.memory_space<hbm>>
    %dma_start3A_171 = arith.constant 22528 : i32
    %dma_start3A_172 = tpu.memref_slice %arg5[%dma_start3A_171] : memref<77824xf32, #tpu.memory_space<vmem>> -> memref<2048xf32, #tpu.memory_space<vmem>>
    tpu.enqueue_dma source(%dma_start3A_172 : memref<2048xf32, #tpu.memory_space<vmem>>) target(%dma_start3A_170 : memref<2048xf32, #tpu.memory_space<hbm>>) target_semaphore(%arg8 : memref<!tpu.dma_semaphore, #tpu.memory_space<semaphore_mem>>)
    %dma_start3A_173 = arith.constant 12 : i32
    %dma_start3A_174 = arith.constant 24576 : i32
    %dma_start3A_175 = tpu.memref_slice %arg5[%dma_start3A_174] : memref<77824xf32, #tpu.memory_space<vmem>> -> memref<2048xf32, #tpu.memory_space<vmem>>
    %dma_start3A_176 = arith.constant 0 : i32
    %dma_start3A_177 = tpu.memref_slice %arg4[%add3A, %dma_start3A_173, %dma_start3A_176] : memref<32x38x2048xf32, #tpu.memory_space<hbm>> -> memref<1x1x2048xf32, #tpu.memory_space<hbm>>
    %dma_start3A_178 = tpu.memref_squeeze %dma_start3A_177 : memref<1x1x2048xf32, #tpu.memory_space<hbm>> -> memref<2048xf32, #tpu.memory_space<hbm>>
    %dma_start3A_179 = arith.constant 0 : i32
    %dma_start3A_180 = tpu.memref_slice %arg4[%add3A, %dma_start3A_173, %dma_start3A_179] : memref<32x38x2048xf32, #tpu.memory_space<hbm>> -> memref<1x1x2048xf32, #tpu.memory_space<hbm>>
    %dma_start3A_181 = tpu.memref_squeeze %dma_start3A_180 : memref<1x1x2048xf32, #tpu.memory_space<hbm>> -> memref<2048xf32, #tpu.memory_space<hbm>>
    %dma_start3A_182 = arith.constant 24576 : i32
    %dma_start3A_183 = tpu.memref_slice %arg5[%dma_start3A_182] : memref<77824xf32, #tpu.memory_space<vmem>> -> memref<2048xf32, #tpu.memory_space<vmem>>
    tpu.enqueue_dma source(%dma_start3A_183 : memref<2048xf32, #tpu.memory_space<vmem>>) target(%dma_start3A_181 : memref<2048xf32, #tpu.memory_space<hbm>>) target_semaphore(%arg8 : memref<!tpu.dma_semaphore, #tpu.memory_space<semaphore_mem>>)
    %dma_start3A_184 = arith.constant 13 : i32
    %dma_start3A_185 = arith.constant 26624 : i32
    %dma_start3A_186 = tpu.memref_slice %arg5[%dma_start3A_185] : memref<77824xf32, #tpu.memory_space<vmem>> -> memref<2048xf32, #tpu.memory_space<vmem>>
    %dma_start3A_187 = arith.constant 0 : i32
    %dma_start3A_188 = tpu.memref_slice %arg4[%add3A, %dma_start3A_184, %dma_start3A_187] : memref<32x38x2048xf32, #tpu.memory_space<hbm>> -> memref<1x1x2048xf32, #tpu.memory_space<hbm>>
    %dma_start3A_189 = tpu.memref_squeeze %dma_start3A_188 : memref<1x1x2048xf32, #tpu.memory_space<hbm>> -> memref<2048xf32, #tpu.memory_space<hbm>>
    %dma_start3A_190 = arith.constant 0 : i32
    %dma_start3A_191 = tpu.memref_slice %arg4[%add3A, %dma_start3A_184, %dma_start3A_190] : memref<32x38x2048xf32, #tpu.memory_space<hbm>> -> memref<1x1x2048xf32, #tpu.memory_space<hbm>>
    %dma_start3A_192 = tpu.memref_squeeze %dma_start3A_191 : memref<1x1x2048xf32, #tpu.memory_space<hbm>> -> memref<2048xf32, #tpu.memory_space<hbm>>
    %dma_start3A_193 = arith.constant 26624 : i32
    %dma_start3A_194 = tpu.memref_slice %arg5[%dma_start3A_193] : memref<77824xf32, #tpu.memory_space<vmem>> -> memref<2048xf32, #tpu.memory_space<vmem>>
    tpu.enqueue_dma source(%dma_start3A_194 : memref<2048xf32, #tpu.memory_space<vmem>>) target(%dma_start3A_192 : memref<2048xf32, #tpu.memory_space<hbm>>) target_semaphore(%arg8 : memref<!tpu.dma_semaphore, #tpu.memory_space<semaphore_mem>>)
    %dma_start3A_195 = arith.constant 14 : i32
    %dma_start3A_196 = arith.constant 28672 : i32
    %dma_start3A_197 = tpu.memref_slice %arg5[%dma_start3A_196] : memref<77824xf32, #tpu.memory_space<vmem>> -> memref<2048xf32, #tpu.memory_space<vmem>>
    %dma_start3A_198 = arith.constant 0 : i32
    %dma_start3A_199 = tpu.memref_slice %arg4[%add3A, %dma_start3A_195, %dma_start3A_198] : memref<32x38x2048xf32, #tpu.memory_space<hbm>> -> memref<1x1x2048xf32, #tpu.memory_space<hbm>>
    %dma_start3A_200 = tpu.memref_squeeze %dma_start3A_199 : memref<1x1x2048xf32, #tpu.memory_space<hbm>> -> memref<2048xf32, #tpu.memory_space<hbm>>
    %dma_start3A_201 = arith.constant 0 : i32
    %dma_start3A_202 = tpu.memref_slice %arg4[%add3A, %dma_start3A_195, %dma_start3A_201] : memref<32x38x2048xf32, #tpu.memory_space<hbm>> -> memref<1x1x2048xf32, #tpu.memory_space<hbm>>
    %dma_start3A_203 = tpu.memref_squeeze %dma_start3A_202 : memref<1x1x2048xf32, #tpu.memory_space<hbm>> -> memref<2048xf32, #tpu.memory_space<hbm>>
    %dma_start3A_204 = arith.constant 28672 : i32
    %dma_start3A_205 = tpu.memref_slice %arg5[%dma_start3A_204] : memref<77824xf32, #tpu.memory_space<vmem>> -> memref<2048xf32, #tpu.memory_space<vmem>>
    tpu.enqueue_dma source(%dma_start3A_205 : memref<2048xf32, #tpu.memory_space<vmem>>) target(%dma_start3A_203 : memref<2048xf32, #tpu.memory_space<hbm>>) target_semaphore(%arg8 : memref<!tpu.dma_semaphore, #tpu.memory_space<semaphore_mem>>)
    %dma_start3A_206 = arith.constant 15 : i32
    %dma_start3A_207 = arith.constant 30720 : i32
    %dma_start3A_208 = tpu.memref_slice %arg5[%dma_start3A_207] : memref<77824xf32, #tpu.memory_space<vmem>> -> memref<2048xf32, #tpu.memory_space<vmem>>
    %dma_start3A_209 = arith.constant 0 : i32
    %dma_start3A_210 = tpu.memref_slice %arg4[%add3A, %dma_start3A_206, %dma_start3A_209] : memref<32x38x2048xf32, #tpu.memory_space<hbm>> -> memref<1x1x2048xf32, #tpu.memory_space<hbm>>
    %dma_start3A_211 = tpu.memref_squeeze %dma_start3A_210 : memref<1x1x2048xf32, #tpu.memory_space<hbm>> -> memref<2048xf32, #tpu.memory_space<hbm>>
    %dma_start3A_212 = arith.constant 0 : i32
    %dma_start3A_213 = tpu.memref_slice %arg4[%add3A, %dma_start3A_206, %dma_start3A_212] : memref<32x38x2048xf32, #tpu.memory_space<hbm>> -> memref<1x1x2048xf32, #tpu.memory_space<hbm>>
    %dma_start3A_214 = tpu.memref_squeeze %dma_start3A_213 : memref<1x1x2048xf32, #tpu.memory_space<hbm>> -> memref<2048xf32, #tpu.memory_space<hbm>>
    %dma_start3A_215 = arith.constant 30720 : i32
    %dma_start3A_216 = tpu.memref_slice %arg5[%dma_start3A_215] : memref<77824xf32, #tpu.memory_space<vmem>> -> memref<2048xf32, #tpu.memory_space<vmem>>
    tpu.enqueue_dma source(%dma_start3A_216 : memref<2048xf32, #tpu.memory_space<vmem>>) target(%dma_start3A_214 : memref<2048xf32, #tpu.memory_space<hbm>>) target_semaphore(%arg8 : memref<!tpu.dma_semaphore, #tpu.memory_space<semaphore_mem>>)
    %dma_start3A_217 = arith.constant 16 : i32
    %dma_start3A_218 = arith.constant 32768 : i32
    %dma_start3A_219 = tpu.memref_slice %arg5[%dma_start3A_218] : memref<77824xf32, #tpu.memory_space<vmem>> -> memref<2048xf32, #tpu.memory_space<vmem>>
    %dma_start3A_220 = arith.constant 0 : i32
    %dma_start3A_221 = tpu.memref_slice %arg4[%add3A, %dma_start3A_217, %dma_start3A_220] : memref<32x38x2048xf32, #tpu.memory_space<hbm>> -> memref<1x1x2048xf32, #tpu.memory_space<hbm>>
    %dma_start3A_222 = tpu.memref_squeeze %dma_start3A_221 : memref<1x1x2048xf32, #tpu.memory_space<hbm>> -> memref<2048xf32, #tpu.memory_space<hbm>>
    %dma_start3A_223 = arith.constant 0 : i32
    %dma_start3A_224 = tpu.memref_slice %arg4[%add3A, %dma_start3A_217, %dma_start3A_223] : memref<32x38x2048xf32, #tpu.memory_space<hbm>> -> memref<1x1x2048xf32, #tpu.memory_space<hbm>>
    %dma_start3A_225 = tpu.memref_squeeze %dma_start3A_224 : memref<1x1x2048xf32, #tpu.memory_space<hbm>> -> memref<2048xf32, #tpu.memory_space<hbm>>
    %dma_start3A_226 = arith.constant 32768 : i32
    %dma_start3A_227 = tpu.memref_slice %arg5[%dma_start3A_226] : memref<77824xf32, #tpu.memory_space<vmem>> -> memref<2048xf32, #tpu.memory_space<vmem>>
    tpu.enqueue_dma source(%dma_start3A_227 : memref<2048xf32, #tpu.memory_space<vmem>>) target(%dma_start3A_225 : memref<2048xf32, #tpu.memory_space<hbm>>) target_semaphore(%arg8 : memref<!tpu.dma_semaphore, #tpu.memory_space<semaphore_mem>>)
    %dma_start3A_228 = arith.constant 17 : i32
    %dma_start3A_229 = arith.constant 34816 : i32
    %dma_start3A_230 = tpu.memref_slice %arg5[%dma_start3A_229] : memref<77824xf32, #tpu.memory_space<vmem>> -> memref<2048xf32, #tpu.memory_space<vmem>>
    %dma_start3A_231 = arith.constant 0 : i32
    %dma_start3A_232 = tpu.memref_slice %arg4[%add3A, %dma_start3A_228, %dma_start3A_231] : memref<32x38x2048xf32, #tpu.memory_space<hbm>> -> memref<1x1x2048xf32, #tpu.memory_space<hbm>>
    %dma_start3A_233 = tpu.memref_squeeze %dma_start3A_232 : memref<1x1x2048xf32, #tpu.memory_space<hbm>> -> memref<2048xf32, #tpu.memory_space<hbm>>
    %dma_start3A_234 = arith.constant 0 : i32
    %dma_start3A_235 = tpu.memref_slice %arg4[%add3A, %dma_start3A_228, %dma_start3A_234] : memref<32x38x2048xf32, #tpu.memory_space<hbm>> -> memref<1x1x2048xf32, #tpu.memory_space<hbm>>
    %dma_start3A_236 = tpu.memref_squeeze %dma_start3A_235 : memref<1x1x2048xf32, #tpu.memory_space<hbm>> -> memref<2048xf32, #tpu.memory_space<hbm>>
    %dma_start3A_237 = arith.constant 34816 : i32
    %dma_start3A_238 = tpu.memref_slice %arg5[%dma_start3A_237] : memref<77824xf32, #tpu.memory_space<vmem>> -> memref<2048xf32, #tpu.memory_space<vmem>>
    tpu.enqueue_dma source(%dma_start3A_238 : memref<2048xf32, #tpu.memory_space<vmem>>) target(%dma_start3A_236 : memref<2048xf32, #tpu.memory_space<hbm>>) target_semaphore(%arg8 : memref<!tpu.dma_semaphore, #tpu.memory_space<semaphore_mem>>)
    %dma_start3A_239 = arith.constant 18 : i32
    %dma_start3A_240 = arith.constant 36864 : i32
    %dma_start3A_241 = tpu.memref_slice %arg5[%dma_start3A_240] : memref<77824xf32, #tpu.memory_space<vmem>> -> memref<2048xf32, #tpu.memory_space<vmem>>
    %dma_start3A_242 = arith.constant 0 : i32
    %dma_start3A_243 = tpu.memref_slice %arg4[%add3A, %dma_start3A_239, %dma_start3A_242] : memref<32x38x2048xf32, #tpu.memory_space<hbm>> -> memref<1x1x2048xf32, #tpu.memory_space<hbm>>
    %dma_start3A_244 = tpu.memref_squeeze %dma_start3A_243 : memref<1x1x2048xf32, #tpu.memory_space<hbm>> -> memref<2048xf32, #tpu.memory_space<hbm>>
    %dma_start3A_245 = arith.constant 0 : i32
    %dma_start3A_246 = tpu.memref_slice %arg4[%add3A, %dma_start3A_239, %dma_start3A_245] : memref<32x38x2048xf32, #tpu.memory_space<hbm>> -> memref<1x1x2048xf32, #tpu.memory_space<hbm>>
    %dma_start3A_247 = tpu.memref_squeeze %dma_start3A_246 : memref<1x1x2048xf32, #tpu.memory_space<hbm>> -> memref<2048xf32, #tpu.memory_space<hbm>>
    %dma_start3A_248 = arith.constant 36864 : i32
    %dma_start3A_249 = tpu.memref_slice %arg5[%dma_start3A_248] : memref<77824xf32, #tpu.memory_space<vmem>> -> memref<2048xf32, #tpu.memory_space<vmem>>
    tpu.enqueue_dma source(%dma_start3A_249 : memref<2048xf32, #tpu.memory_space<vmem>>) target(%dma_start3A_247 : memref<2048xf32, #tpu.memory_space<hbm>>) target_semaphore(%arg8 : memref<!tpu.dma_semaphore, #tpu.memory_space<semaphore_mem>>)
    %dma_start3A_250 = arith.constant 19 : i32
    %dma_start3A_251 = arith.constant 38912 : i32
    %dma_start3A_252 = tpu.memref_slice %arg5[%dma_start3A_251] : memref<77824xf32, #tpu.memory_space<vmem>> -> memref<2048xf32, #tpu.memory_space<vmem>>
    %dma_start3A_253 = arith.constant 0 : i32
    %dma_start3A_254 = tpu.memref_slice %arg4[%add3A, %dma_start3A_250, %dma_start3A_253] : memref<32x38x2048xf32, #tpu.memory_space<hbm>> -> memref<1x1x2048xf32, #tpu.memory_space<hbm>>
    %dma_start3A_255 = tpu.memref_squeeze %dma_start3A_254 : memref<1x1x2048xf32, #tpu.memory_space<hbm>> -> memref<2048xf32, #tpu.memory_space<hbm>>
    %dma_start3A_256 = arith.constant 0 : i32
    %dma_start3A_257 = tpu.memref_slice %arg4[%add3A, %dma_start3A_250, %dma_start3A_256] : memref<32x38x2048xf32, #tpu.memory_space<hbm>> -> memref<1x1x2048xf32, #tpu.memory_space<hbm>>
    %dma_start3A_258 = tpu.memref_squeeze %dma_start3A_257 : memref<1x1x2048xf32, #tpu.memory_space<hbm>> -> memref<2048xf32, #tpu.memory_space<hbm>>
    %dma_start3A_259 = arith.constant 38912 : i32
    %dma_start3A_260 = tpu.memref_slice %arg5[%dma_start3A_259] : memref<77824xf32, #tpu.memory_space<vmem>> -> memref<2048xf32, #tpu.memory_space<vmem>>
    tpu.enqueue_dma source(%dma_start3A_260 : memref<2048xf32, #tpu.memory_space<vmem>>) target(%dma_start3A_258 : memref<2048xf32, #tpu.memory_space<hbm>>) target_semaphore(%arg8 : memref<!tpu.dma_semaphore, #tpu.memory_space<semaphore_mem>>)
    %dma_start3A_261 = arith.constant 20 : i32
    %dma_start3A_262 = arith.constant 40960 : i32
    %dma_start3A_263 = tpu.memref_slice %arg5[%dma_start3A_262] : memref<77824xf32, #tpu.memory_space<vmem>> -> memref<2048xf32, #tpu.memory_space<vmem>>
    %dma_start3A_264 = arith.constant 0 : i32
    %dma_start3A_265 = tpu.memref_slice %arg4[%add3A, %dma_start3A_261, %dma_start3A_264] : memref<32x38x2048xf32, #tpu.memory_space<hbm>> -> memref<1x1x2048xf32, #tpu.memory_space<hbm>>
    %dma_start3A_266 = tpu.memref_squeeze %dma_start3A_265 : memref<1x1x2048xf32, #tpu.memory_space<hbm>> -> memref<2048xf32, #tpu.memory_space<hbm>>
    %dma_start3A_267 = arith.constant 0 : i32
    %dma_start3A_268 = tpu.memref_slice %arg4[%add3A, %dma_start3A_261, %dma_start3A_267] : memref<32x38x2048xf32, #tpu.memory_space<hbm>> -> memref<1x1x2048xf32, #tpu.memory_space<hbm>>
    %dma_start3A_269 = tpu.memref_squeeze %dma_start3A_268 : memref<1x1x2048xf32, #tpu.memory_space<hbm>> -> memref<2048xf32, #tpu.memory_space<hbm>>
    %dma_start3A_270 = arith.constant 40960 : i32
    %dma_start3A_271 = tpu.memref_slice %arg5[%dma_start3A_270] : memref<77824xf32, #tpu.memory_space<vmem>> -> memref<2048xf32, #tpu.memory_space<vmem>>
    tpu.enqueue_dma source(%dma_start3A_271 : memref<2048xf32, #tpu.memory_space<vmem>>) target(%dma_start3A_269 : memref<2048xf32, #tpu.memory_space<hbm>>) target_semaphore(%arg8 : memref<!tpu.dma_semaphore, #tpu.memory_space<semaphore_mem>>)
    %dma_start3A_272 = arith.constant 21 : i32
    %dma_start3A_273 = arith.constant 43008 : i32
    %dma_start3A_274 = tpu.memref_slice %arg5[%dma_start3A_273] : memref<77824xf32, #tpu.memory_space<vmem>> -> memref<2048xf32, #tpu.memory_space<vmem>>
    %dma_start3A_275 = arith.constant 0 : i32
    %dma_start3A_276 = tpu.memref_slice %arg4[%add3A, %dma_start3A_272, %dma_start3A_275] : memref<32x38x2048xf32, #tpu.memory_space<hbm>> -> memref<1x1x2048xf32, #tpu.memory_space<hbm>>
    %dma_start3A_277 = tpu.memref_squeeze %dma_start3A_276 : memref<1x1x2048xf32, #tpu.memory_space<hbm>> -> memref<2048xf32, #tpu.memory_space<hbm>>
    %dma_start3A_278 = arith.constant 0 : i32
    %dma_start3A_279 = tpu.memref_slice %arg4[%add3A, %dma_start3A_272, %dma_start3A_278] : memref<32x38x2048xf32, #tpu.memory_space<hbm>> -> memref<1x1x2048xf32, #tpu.memory_space<hbm>>
    %dma_start3A_280 = tpu.memref_squeeze %dma_start3A_279 : memref<1x1x2048xf32, #tpu.memory_space<hbm>> -> memref<2048xf32, #tpu.memory_space<hbm>>
    %dma_start3A_281 = arith.constant 43008 : i32
    %dma_start3A_282 = tpu.memref_slice %arg5[%dma_start3A_281] : memref<77824xf32, #tpu.memory_space<vmem>> -> memref<2048xf32, #tpu.memory_space<vmem>>
    tpu.enqueue_dma source(%dma_start3A_282 : memref<2048xf32, #tpu.memory_space<vmem>>) target(%dma_start3A_280 : memref<2048xf32, #tpu.memory_space<hbm>>) target_semaphore(%arg8 : memref<!tpu.dma_semaphore, #tpu.memory_space<semaphore_mem>>)
    %dma_start3A_283 = arith.constant 22 : i32
    %dma_start3A_284 = arith.constant 45056 : i32
    %dma_start3A_285 = tpu.memref_slice %arg5[%dma_start3A_284] : memref<77824xf32, #tpu.memory_space<vmem>> -> memref<2048xf32, #tpu.memory_space<vmem>>
    %dma_start3A_286 = arith.constant 0 : i32
    %dma_start3A_287 = tpu.memref_slice %arg4[%add3A, %dma_start3A_283, %dma_start3A_286] : memref<32x38x2048xf32, #tpu.memory_space<hbm>> -> memref<1x1x2048xf32, #tpu.memory_space<hbm>>
    %dma_start3A_288 = tpu.memref_squeeze %dma_start3A_287 : memref<1x1x2048xf32, #tpu.memory_space<hbm>> -> memref<2048xf32, #tpu.memory_space<hbm>>
    %dma_start3A_289 = arith.constant 0 : i32
    %dma_start3A_290 = tpu.memref_slice %arg4[%add3A, %dma_start3A_283, %dma_start3A_289] : memref<32x38x2048xf32, #tpu.memory_space<hbm>> -> memref<1x1x2048xf32, #tpu.memory_space<hbm>>
    %dma_start3A_291 = tpu.memref_squeeze %dma_start3A_290 : memref<1x1x2048xf32, #tpu.memory_space<hbm>> -> memref<2048xf32, #tpu.memory_space<hbm>>
    %dma_start3A_292 = arith.constant 45056 : i32
    %dma_start3A_293 = tpu.memref_slice %arg5[%dma_start3A_292] : memref<77824xf32, #tpu.memory_space<vmem>> -> memref<2048xf32, #tpu.memory_space<vmem>>
    tpu.enqueue_dma source(%dma_start3A_293 : memref<2048xf32, #tpu.memory_space<vmem>>) target(%dma_start3A_291 : memref<2048xf32, #tpu.memory_space<hbm>>) target_semaphore(%arg8 : memref<!tpu.dma_semaphore, #tpu.memory_space<semaphore_mem>>)
    %dma_start3A_294 = arith.constant 23 : i32
    %dma_start3A_295 = arith.constant 47104 : i32
    %dma_start3A_296 = tpu.memref_slice %arg5[%dma_start3A_295] : memref<77824xf32, #tpu.memory_space<vmem>> -> memref<2048xf32, #tpu.memory_space<vmem>>
    %dma_start3A_297 = arith.constant 0 : i32
    %dma_start3A_298 = tpu.memref_slice %arg4[%add3A, %dma_start3A_294, %dma_start3A_297] : memref<32x38x2048xf32, #tpu.memory_space<hbm>> -> memref<1x1x2048xf32, #tpu.memory_space<hbm>>
    %dma_start3A_299 = tpu.memref_squeeze %dma_start3A_298 : memref<1x1x2048xf32, #tpu.memory_space<hbm>> -> memref<2048xf32, #tpu.memory_space<hbm>>
    %dma_start3A_300 = arith.constant 0 : i32
    %dma_start3A_301 = tpu.memref_slice %arg4[%add3A, %dma_start3A_294, %dma_start3A_300] : memref<32x38x2048xf32, #tpu.memory_space<hbm>> -> memref<1x1x2048xf32, #tpu.memory_space<hbm>>
    %dma_start3A_302 = tpu.memref_squeeze %dma_start3A_301 : memref<1x1x2048xf32, #tpu.memory_space<hbm>> -> memref<2048xf32, #tpu.memory_space<hbm>>
    %dma_start3A_303 = arith.constant 47104 : i32
    %dma_start3A_304 = tpu.memref_slice %arg5[%dma_start3A_303] : memref<77824xf32, #tpu.memory_space<vmem>> -> memref<2048xf32, #tpu.memory_space<vmem>>
    tpu.enqueue_dma source(%dma_start3A_304 : memref<2048xf32, #tpu.memory_space<vmem>>) target(%dma_start3A_302 : memref<2048xf32, #tpu.memory_space<hbm>>) target_semaphore(%arg8 : memref<!tpu.dma_semaphore, #tpu.memory_space<semaphore_mem>>)
    %dma_start3A_305 = arith.constant 24 : i32
    %dma_start3A_306 = arith.constant 49152 : i32
    %dma_start3A_307 = tpu.memref_slice %arg5[%dma_start3A_306] : memref<77824xf32, #tpu.memory_space<vmem>> -> memref<2048xf32, #tpu.memory_space<vmem>>
    %dma_start3A_308 = arith.constant 0 : i32
    %dma_start3A_309 = tpu.memref_slice %arg4[%add3A, %dma_start3A_305, %dma_start3A_308] : memref<32x38x2048xf32, #tpu.memory_space<hbm>> -> memref<1x1x2048xf32, #tpu.memory_space<hbm>>
    %dma_start3A_310 = tpu.memref_squeeze %dma_start3A_309 : memref<1x1x2048xf32, #tpu.memory_space<hbm>> -> memref<2048xf32, #tpu.memory_space<hbm>>
    %dma_start3A_311 = arith.constant 0 : i32
    %dma_start3A_312 = tpu.memref_slice %arg4[%add3A, %dma_start3A_305, %dma_start3A_311] : memref<32x38x2048xf32, #tpu.memory_space<hbm>> -> memref<1x1x2048xf32, #tpu.memory_space<hbm>>
    %dma_start3A_313 = tpu.memref_squeeze %dma_start3A_312 : memref<1x1x2048xf32, #tpu.memory_space<hbm>> -> memref<2048xf32, #tpu.memory_space<hbm>>
    %dma_start3A_314 = arith.constant 49152 : i32
    %dma_start3A_315 = tpu.memref_slice %arg5[%dma_start3A_314] : memref<77824xf32, #tpu.memory_space<vmem>> -> memref<2048xf32, #tpu.memory_space<vmem>>
    tpu.enqueue_dma source(%dma_start3A_315 : memref<2048xf32, #tpu.memory_space<vmem>>) target(%dma_start3A_313 : memref<2048xf32, #tpu.memory_space<hbm>>) target_semaphore(%arg8 : memref<!tpu.dma_semaphore, #tpu.memory_space<semaphore_mem>>)
    %dma_start3A_316 = arith.constant 25 : i32
    %dma_start3A_317 = arith.constant 51200 : i32
    %dma_start3A_318 = tpu.memref_slice %arg5[%dma_start3A_317] : memref<77824xf32, #tpu.memory_space<vmem>> -> memref<2048xf32, #tpu.memory_space<vmem>>
    %dma_start3A_319 = arith.constant 0 : i32
    %dma_start3A_320 = tpu.memref_slice %arg4[%add3A, %dma_start3A_316, %dma_start3A_319] : memref<32x38x2048xf32, #tpu.memory_space<hbm>> -> memref<1x1x2048xf32, #tpu.memory_space<hbm>>
    %dma_start3A_321 = tpu.memref_squeeze %dma_start3A_320 : memref<1x1x2048xf32, #tpu.memory_space<hbm>> -> memref<2048xf32, #tpu.memory_space<hbm>>
    %dma_start3A_322 = arith.constant 0 : i32
    %dma_start3A_323 = tpu.memref_slice %arg4[%add3A, %dma_start3A_316, %dma_start3A_322] : memref<32x38x2048xf32, #tpu.memory_space<hbm>> -> memref<1x1x2048xf32, #tpu.memory_space<hbm>>
    %dma_start3A_324 = tpu.memref_squeeze %dma_start3A_323 : memref<1x1x2048xf32, #tpu.memory_space<hbm>> -> memref<2048xf32, #tpu.memory_space<hbm>>
    %dma_start3A_325 = arith.constant 51200 : i32
    %dma_start3A_326 = tpu.memref_slice %arg5[%dma_start3A_325] : memref<77824xf32, #tpu.memory_space<vmem>> -> memref<2048xf32, #tpu.memory_space<vmem>>
    tpu.enqueue_dma source(%dma_start3A_326 : memref<2048xf32, #tpu.memory_space<vmem>>) target(%dma_start3A_324 : memref<2048xf32, #tpu.memory_space<hbm>>) target_semaphore(%arg8 : memref<!tpu.dma_semaphore, #tpu.memory_space<semaphore_mem>>)
    %dma_start3A_327 = arith.constant 26 : i32
    %dma_start3A_328 = arith.constant 53248 : i32
    %dma_start3A_329 = tpu.memref_slice %arg5[%dma_start3A_328] : memref<77824xf32, #tpu.memory_space<vmem>> -> memref<2048xf32, #tpu.memory_space<vmem>>
    %dma_start3A_330 = arith.constant 0 : i32
    %dma_start3A_331 = tpu.memref_slice %arg4[%add3A, %dma_start3A_327, %dma_start3A_330] : memref<32x38x2048xf32, #tpu.memory_space<hbm>> -> memref<1x1x2048xf32, #tpu.memory_space<hbm>>
    %dma_start3A_332 = tpu.memref_squeeze %dma_start3A_331 : memref<1x1x2048xf32, #tpu.memory_space<hbm>> -> memref<2048xf32, #tpu.memory_space<hbm>>
    %dma_start3A_333 = arith.constant 0 : i32
    %dma_start3A_334 = tpu.memref_slice %arg4[%add3A, %dma_start3A_327, %dma_start3A_333] : memref<32x38x2048xf32, #tpu.memory_space<hbm>> -> memref<1x1x2048xf32, #tpu.memory_space<hbm>>
    %dma_start3A_335 = tpu.memref_squeeze %dma_start3A_334 : memref<1x1x2048xf32, #tpu.memory_space<hbm>> -> memref<2048xf32, #tpu.memory_space<hbm>>
    %dma_start3A_336 = arith.constant 53248 : i32
    %dma_start3A_337 = tpu.memref_slice %arg5[%dma_start3A_336] : memref<77824xf32, #tpu.memory_space<vmem>> -> memref<2048xf32, #tpu.memory_space<vmem>>
    tpu.enqueue_dma source(%dma_start3A_337 : memref<2048xf32, #tpu.memory_space<vmem>>) target(%dma_start3A_335 : memref<2048xf32, #tpu.memory_space<hbm>>) target_semaphore(%arg8 : memref<!tpu.dma_semaphore, #tpu.memory_space<semaphore_mem>>)
    %dma_start3A_338 = arith.constant 27 : i32
    %dma_start3A_339 = arith.constant 55296 : i32
    %dma_start3A_340 = tpu.memref_slice %arg5[%dma_start3A_339] : memref<77824xf32, #tpu.memory_space<vmem>> -> memref<2048xf32, #tpu.memory_space<vmem>>
    %dma_start3A_341 = arith.constant 0 : i32
    %dma_start3A_342 = tpu.memref_slice %arg4[%add3A, %dma_start3A_338, %dma_start3A_341] : memref<32x38x2048xf32, #tpu.memory_space<hbm>> -> memref<1x1x2048xf32, #tpu.memory_space<hbm>>
    %dma_start3A_343 = tpu.memref_squeeze %dma_start3A_342 : memref<1x1x2048xf32, #tpu.memory_space<hbm>> -> memref<2048xf32, #tpu.memory_space<hbm>>
    %dma_start3A_344 = arith.constant 0 : i32
    %dma_start3A_345 = tpu.memref_slice %arg4[%add3A, %dma_start3A_338, %dma_start3A_344] : memref<32x38x2048xf32, #tpu.memory_space<hbm>> -> memref<1x1x2048xf32, #tpu.memory_space<hbm>>
    %dma_start3A_346 = tpu.memref_squeeze %dma_start3A_345 : memref<1x1x2048xf32, #tpu.memory_space<hbm>> -> memref<2048xf32, #tpu.memory_space<hbm>>
    %dma_start3A_347 = arith.constant 55296 : i32
    %dma_start3A_348 = tpu.memref_slice %arg5[%dma_start3A_347] : memref<77824xf32, #tpu.memory_space<vmem>> -> memref<2048xf32, #tpu.memory_space<vmem>>
    tpu.enqueue_dma source(%dma_start3A_348 : memref<2048xf32, #tpu.memory_space<vmem>>) target(%dma_start3A_346 : memref<2048xf32, #tpu.memory_space<hbm>>) target_semaphore(%arg8 : memref<!tpu.dma_semaphore, #tpu.memory_space<semaphore_mem>>)
    %dma_start3A_349 = arith.constant 28 : i32
    %dma_start3A_350 = arith.constant 57344 : i32
    %dma_start3A_351 = tpu.memref_slice %arg5[%dma_start3A_350] : memref<77824xf32, #tpu.memory_space<vmem>> -> memref<2048xf32, #tpu.memory_space<vmem>>
    %dma_start3A_352 = arith.constant 0 : i32
    %dma_start3A_353 = tpu.memref_slice %arg4[%add3A, %dma_start3A_349, %dma_start3A_352] : memref<32x38x2048xf32, #tpu.memory_space<hbm>> -> memref<1x1x2048xf32, #tpu.memory_space<hbm>>
    %dma_start3A_354 = tpu.memref_squeeze %dma_start3A_353 : memref<1x1x2048xf32, #tpu.memory_space<hbm>> -> memref<2048xf32, #tpu.memory_space<hbm>>
    %dma_start3A_355 = arith.constant 0 : i32
    %dma_start3A_356 = tpu.memref_slice %arg4[%add3A, %dma_start3A_349, %dma_start3A_355] : memref<32x38x2048xf32, #tpu.memory_space<hbm>> -> memref<1x1x2048xf32, #tpu.memory_space<hbm>>
    %dma_start3A_357 = tpu.memref_squeeze %dma_start3A_356 : memref<1x1x2048xf32, #tpu.memory_space<hbm>> -> memref<2048xf32, #tpu.memory_space<hbm>>
    %dma_start3A_358 = arith.constant 57344 : i32
    %dma_start3A_359 = tpu.memref_slice %arg5[%dma_start3A_358] : memref<77824xf32, #tpu.memory_space<vmem>> -> memref<2048xf32, #tpu.memory_space<vmem>>
    tpu.enqueue_dma source(%dma_start3A_359 : memref<2048xf32, #tpu.memory_space<vmem>>) target(%dma_start3A_357 : memref<2048xf32, #tpu.memory_space<hbm>>) target_semaphore(%arg8 : memref<!tpu.dma_semaphore, #tpu.memory_space<semaphore_mem>>)
    %dma_start3A_360 = arith.constant 29 : i32
    %dma_start3A_361 = arith.constant 59392 : i32
    %dma_start3A_362 = tpu.memref_slice %arg5[%dma_start3A_361] : memref<77824xf32, #tpu.memory_space<vmem>> -> memref<2048xf32, #tpu.memory_space<vmem>>
    %dma_start3A_363 = arith.constant 0 : i32
    %dma_start3A_364 = tpu.memref_slice %arg4[%add3A, %dma_start3A_360, %dma_start3A_363] : memref<32x38x2048xf32, #tpu.memory_space<hbm>> -> memref<1x1x2048xf32, #tpu.memory_space<hbm>>
    %dma_start3A_365 = tpu.memref_squeeze %dma_start3A_364 : memref<1x1x2048xf32, #tpu.memory_space<hbm>> -> memref<2048xf32, #tpu.memory_space<hbm>>
    %dma_start3A_366 = arith.constant 0 : i32
    %dma_start3A_367 = tpu.memref_slice %arg4[%add3A, %dma_start3A_360, %dma_start3A_366] : memref<32x38x2048xf32, #tpu.memory_space<hbm>> -> memref<1x1x2048xf32, #tpu.memory_space<hbm>>
    %dma_start3A_368 = tpu.memref_squeeze %dma_start3A_367 : memref<1x1x2048xf32, #tpu.memory_space<hbm>> -> memref<2048xf32, #tpu.memory_space<hbm>>
    %dma_start3A_369 = arith.constant 59392 : i32
    %dma_start3A_370 = tpu.memref_slice %arg5[%dma_start3A_369] : memref<77824xf32, #tpu.memory_space<vmem>> -> memref<2048xf32, #tpu.memory_space<vmem>>
    tpu.enqueue_dma source(%dma_start3A_370 : memref<2048xf32, #tpu.memory_space<vmem>>) target(%dma_start3A_368 : memref<2048xf32, #tpu.memory_space<hbm>>) target_semaphore(%arg8 : memref<!tpu.dma_semaphore, #tpu.memory_space<semaphore_mem>>)
    %dma_start3A_371 = arith.constant 30 : i32
    %dma_start3A_372 = arith.constant 61440 : i32
    %dma_start3A_373 = tpu.memref_slice %arg5[%dma_start3A_372] : memref<77824xf32, #tpu.memory_space<vmem>> -> memref<2048xf32, #tpu.memory_space<vmem>>
    %dma_start3A_374 = arith.constant 0 : i32
    %dma_start3A_375 = tpu.memref_slice %arg4[%add3A, %dma_start3A_371, %dma_start3A_374] : memref<32x38x2048xf32, #tpu.memory_space<hbm>> -> memref<1x1x2048xf32, #tpu.memory_space<hbm>>
    %dma_start3A_376 = tpu.memref_squeeze %dma_start3A_375 : memref<1x1x2048xf32, #tpu.memory_space<hbm>> -> memref<2048xf32, #tpu.memory_space<hbm>>
    %dma_start3A_377 = arith.constant 0 : i32
    %dma_start3A_378 = tpu.memref_slice %arg4[%add3A, %dma_start3A_371, %dma_start3A_377] : memref<32x38x2048xf32, #tpu.memory_space<hbm>> -> memref<1x1x2048xf32, #tpu.memory_space<hbm>>
    %dma_start3A_379 = tpu.memref_squeeze %dma_start3A_378 : memref<1x1x2048xf32, #tpu.memory_space<hbm>> -> memref<2048xf32, #tpu.memory_space<hbm>>
    %dma_start3A_380 = arith.constant 61440 : i32
    %dma_start3A_381 = tpu.memref_slice %arg5[%dma_start3A_380] : memref<77824xf32, #tpu.memory_space<vmem>> -> memref<2048xf32, #tpu.memory_space<vmem>>
    tpu.enqueue_dma source(%dma_start3A_381 : memref<2048xf32, #tpu.memory_space<vmem>>) target(%dma_start3A_379 : memref<2048xf32, #tpu.memory_space<hbm>>) target_semaphore(%arg8 : memref<!tpu.dma_semaphore, #tpu.memory_space<semaphore_mem>>)
    %dma_start3A_382 = arith.constant 31 : i32
    %dma_start3A_383 = arith.constant 63488 : i32
    %dma_start3A_384 = tpu.memref_slice %arg5[%dma_start3A_383] : memref<77824xf32, #tpu.memory_space<vmem>> -> memref<2048xf32, #tpu.memory_space<vmem>>
    %dma_start3A_385 = arith.constant 0 : i32
    %dma_start3A_386 = tpu.memref_slice %arg4[%add3A, %dma_start3A_382, %dma_start3A_385] : memref<32x38x2048xf32, #tpu.memory_space<hbm>> -> memref<1x1x2048xf32, #tpu.memory_space<hbm>>
    %dma_start3A_387 = tpu.memref_squeeze %dma_start3A_386 : memref<1x1x2048xf32, #tpu.memory_space<hbm>> -> memref<2048xf32, #tpu.memory_space<hbm>>
    %dma_start3A_388 = arith.constant 0 : i32
    %dma_start3A_389 = tpu.memref_slice %arg4[%add3A, %dma_start3A_382, %dma_start3A_388] : memref<32x38x2048xf32, #tpu.memory_space<hbm>> -> memref<1x1x2048xf32, #tpu.memory_space<hbm>>
    %dma_start3A_390 = tpu.memref_squeeze %dma_start3A_389 : memref<1x1x2048xf32, #tpu.memory_space<hbm>> -> memref<2048xf32, #tpu.memory_space<hbm>>
    %dma_start3A_391 = arith.constant 63488 : i32
    %dma_start3A_392 = tpu.memref_slice %arg5[%dma_start3A_391] : memref<77824xf32, #tpu.memory_space<vmem>> -> memref<2048xf32, #tpu.memory_space<vmem>>
    tpu.enqueue_dma source(%dma_start3A_392 : memref<2048xf32, #tpu.memory_space<vmem>>) target(%dma_start3A_390 : memref<2048xf32, #tpu.memory_space<hbm>>) target_semaphore(%arg8 : memref<!tpu.dma_semaphore, #tpu.memory_space<semaphore_mem>>)
    %dma_start3A_393 = arith.constant 32 : i32
    %dma_start3A_394 = arith.constant 65536 : i32
    %dma_start3A_395 = tpu.memref_slice %arg5[%dma_start3A_394] : memref<77824xf32, #tpu.memory_space<vmem>> -> memref<2048xf32, #tpu.memory_space<vmem>>
    %dma_start3A_396 = arith.constant 0 : i32
    %dma_start3A_397 = tpu.memref_slice %arg4[%add3A, %dma_start3A_393, %dma_start3A_396] : memref<32x38x2048xf32, #tpu.memory_space<hbm>> -> memref<1x1x2048xf32, #tpu.memory_space<hbm>>
    %dma_start3A_398 = tpu.memref_squeeze %dma_start3A_397 : memref<1x1x2048xf32, #tpu.memory_space<hbm>> -> memref<2048xf32, #tpu.memory_space<hbm>>
    %dma_start3A_399 = arith.constant 0 : i32
    %dma_start3A_400 = tpu.memref_slice %arg4[%add3A, %dma_start3A_393, %dma_start3A_399] : memref<32x38x2048xf32, #tpu.memory_space<hbm>> -> memref<1x1x2048xf32, #tpu.memory_space<hbm>>
    %dma_start3A_401 = tpu.memref_squeeze %dma_start3A_400 : memref<1x1x2048xf32, #tpu.memory_space<hbm>> -> memref<2048xf32, #tpu.memory_space<hbm>>
    %dma_start3A_402 = arith.constant 65536 : i32
    %dma_start3A_403 = tpu.memref_slice %arg5[%dma_start3A_402] : memref<77824xf32, #tpu.memory_space<vmem>> -> memref<2048xf32, #tpu.memory_space<vmem>>
    tpu.enqueue_dma source(%dma_start3A_403 : memref<2048xf32, #tpu.memory_space<vmem>>) target(%dma_start3A_401 : memref<2048xf32, #tpu.memory_space<hbm>>) target_semaphore(%arg8 : memref<!tpu.dma_semaphore, #tpu.memory_space<semaphore_mem>>)
    %dma_start3A_404 = arith.constant 33 : i32
    %dma_start3A_405 = arith.constant 67584 : i32
    %dma_start3A_406 = tpu.memref_slice %arg5[%dma_start3A_405] : memref<77824xf32, #tpu.memory_space<vmem>> -> memref<2048xf32, #tpu.memory_space<vmem>>
    %dma_start3A_407 = arith.constant 0 : i32
    %dma_start3A_408 = tpu.memref_slice %arg4[%add3A, %dma_start3A_404, %dma_start3A_407] : memref<32x38x2048xf32, #tpu.memory_space<hbm>> -> memref<1x1x2048xf32, #tpu.memory_space<hbm>>
    %dma_start3A_409 = tpu.memref_squeeze %dma_start3A_408 : memref<1x1x2048xf32, #tpu.memory_space<hbm>> -> memref<2048xf32, #tpu.memory_space<hbm>>
    %dma_start3A_410 = arith.constant 0 : i32
    %dma_start3A_411 = tpu.memref_slice %arg4[%add3A, %dma_start3A_404, %dma_start3A_410] : memref<32x38x2048xf32, #tpu.memory_space<hbm>> -> memref<1x1x2048xf32, #tpu.memory_space<hbm>>
    %dma_start3A_412 = tpu.memref_squeeze %dma_start3A_411 : memref<1x1x2048xf32, #tpu.memory_space<hbm>> -> memref<2048xf32, #tpu.memory_space<hbm>>
    %dma_start3A_413 = arith.constant 67584 : i32
    %dma_start3A_414 = tpu.memref_slice %arg5[%dma_start3A_413] : memref<77824xf32, #tpu.memory_space<vmem>> -> memref<2048xf32, #tpu.memory_space<vmem>>
    tpu.enqueue_dma source(%dma_start3A_414 : memref<2048xf32, #tpu.memory_space<vmem>>) target(%dma_start3A_412 : memref<2048xf32, #tpu.memory_space<hbm>>) target_semaphore(%arg8 : memref<!tpu.dma_semaphore, #tpu.memory_space<semaphore_mem>>)
    %dma_start3A_415 = arith.constant 34 : i32
    %dma_start3A_416 = arith.constant 69632 : i32
    %dma_start3A_417 = tpu.memref_slice %arg5[%dma_start3A_416] : memref<77824xf32, #tpu.memory_space<vmem>> -> memref<2048xf32, #tpu.memory_space<vmem>>
    %dma_start3A_418 = arith.constant 0 : i32
    %dma_start3A_419 = tpu.memref_slice %arg4[%add3A, %dma_start3A_415, %dma_start3A_418] : memref<32x38x2048xf32, #tpu.memory_space<hbm>> -> memref<1x1x2048xf32, #tpu.memory_space<hbm>>
    %dma_start3A_420 = tpu.memref_squeeze %dma_start3A_419 : memref<1x1x2048xf32, #tpu.memory_space<hbm>> -> memref<2048xf32, #tpu.memory_space<hbm>>
    %dma_start3A_421 = arith.constant 0 : i32
    %dma_start3A_422 = tpu.memref_slice %arg4[%add3A, %dma_start3A_415, %dma_start3A_421] : memref<32x38x2048xf32, #tpu.memory_space<hbm>> -> memref<1x1x2048xf32, #tpu.memory_space<hbm>>
    %dma_start3A_423 = tpu.memref_squeeze %dma_start3A_422 : memref<1x1x2048xf32, #tpu.memory_space<hbm>> -> memref<2048xf32, #tpu.memory_space<hbm>>
    %dma_start3A_424 = arith.constant 69632 : i32
    %dma_start3A_425 = tpu.memref_slice %arg5[%dma_start3A_424] : memref<77824xf32, #tpu.memory_space<vmem>> -> memref<2048xf32, #tpu.memory_space<vmem>>
    tpu.enqueue_dma source(%dma_start3A_425 : memref<2048xf32, #tpu.memory_space<vmem>>) target(%dma_start3A_423 : memref<2048xf32, #tpu.memory_space<hbm>>) target_semaphore(%arg8 : memref<!tpu.dma_semaphore, #tpu.memory_space<semaphore_mem>>)
    %dma_start3A_426 = arith.constant 35 : i32
    %dma_start3A_427 = arith.constant 71680 : i32
    %dma_start3A_428 = tpu.memref_slice %arg5[%dma_start3A_427] : memref<77824xf32, #tpu.memory_space<vmem>> -> memref<2048xf32, #tpu.memory_space<vmem>>
    %dma_start3A_429 = arith.constant 0 : i32
    %dma_start3A_430 = tpu.memref_slice %arg4[%add3A, %dma_start3A_426, %dma_start3A_429] : memref<32x38x2048xf32, #tpu.memory_space<hbm>> -> memref<1x1x2048xf32, #tpu.memory_space<hbm>>
    %dma_start3A_431 = tpu.memref_squeeze %dma_start3A_430 : memref<1x1x2048xf32, #tpu.memory_space<hbm>> -> memref<2048xf32, #tpu.memory_space<hbm>>
    %dma_start3A_432 = arith.constant 0 : i32
    %dma_start3A_433 = tpu.memref_slice %arg4[%add3A, %dma_start3A_426, %dma_start3A_432] : memref<32x38x2048xf32, #tpu.memory_space<hbm>> -> memref<1x1x2048xf32, #tpu.memory_space<hbm>>
    %dma_start3A_434 = tpu.memref_squeeze %dma_start3A_433 : memref<1x1x2048xf32, #tpu.memory_space<hbm>> -> memref<2048xf32, #tpu.memory_space<hbm>>
    %dma_start3A_435 = arith.constant 71680 : i32
    %dma_start3A_436 = tpu.memref_slice %arg5[%dma_start3A_435] : memref<77824xf32, #tpu.memory_space<vmem>> -> memref<2048xf32, #tpu.memory_space<vmem>>
    tpu.enqueue_dma source(%dma_start3A_436 : memref<2048xf32, #tpu.memory_space<vmem>>) target(%dma_start3A_434 : memref<2048xf32, #tpu.memory_space<hbm>>) target_semaphore(%arg8 : memref<!tpu.dma_semaphore, #tpu.memory_space<semaphore_mem>>)
    %dma_start3A_437 = arith.constant 36 : i32
    %dma_start3A_438 = arith.constant 73728 : i32
    %dma_start3A_439 = tpu.memref_slice %arg5[%dma_start3A_438] : memref<77824xf32, #tpu.memory_space<vmem>> -> memref<2048xf32, #tpu.memory_space<vmem>>
    %dma_start3A_440 = arith.constant 0 : i32
    %dma_start3A_441 = tpu.memref_slice %arg4[%add3A, %dma_start3A_437, %dma_start3A_440] : memref<32x38x2048xf32, #tpu.memory_space<hbm>> -> memref<1x1x2048xf32, #tpu.memory_space<hbm>>
    %dma_start3A_442 = tpu.memref_squeeze %dma_start3A_441 : memref<1x1x2048xf32, #tpu.memory_space<hbm>> -> memref<2048xf32, #tpu.memory_space<hbm>>
    %dma_start3A_443 = arith.constant 0 : i32
    %dma_start3A_444 = tpu.memref_slice %arg4[%add3A, %dma_start3A_437, %dma_start3A_443] : memref<32x38x2048xf32, #tpu.memory_space<hbm>> -> memref<1x1x2048xf32, #tpu.memory_space<hbm>>
    %dma_start3A_445 = tpu.memref_squeeze %dma_start3A_444 : memref<1x1x2048xf32, #tpu.memory_space<hbm>> -> memref<2048xf32, #tpu.memory_space<hbm>>
    %dma_start3A_446 = arith.constant 73728 : i32
    %dma_start3A_447 = tpu.memref_slice %arg5[%dma_start3A_446] : memref<77824xf32, #tpu.memory_space<vmem>> -> memref<2048xf32, #tpu.memory_space<vmem>>
    tpu.enqueue_dma source(%dma_start3A_447 : memref<2048xf32, #tpu.memory_space<vmem>>) target(%dma_start3A_445 : memref<2048xf32, #tpu.memory_space<hbm>>) target_semaphore(%arg8 : memref<!tpu.dma_semaphore, #tpu.memory_space<semaphore_mem>>)
    %dma_start3A_448 = arith.constant 37 : i32
    %dma_start3A_449 = arith.constant 75776 : i32
    %dma_start3A_450 = tpu.memref_slice %arg5[%dma_start3A_449] : memref<77824xf32, #tpu.memory_space<vmem>> -> memref<2048xf32, #tpu.memory_space<vmem>>
    %dma_start3A_451 = arith.constant 0 : i32
    %dma_start3A_452 = tpu.memref_slice %arg4[%add3A, %dma_start3A_448, %dma_start3A_451] : memref<32x38x2048xf32, #tpu.memory_space<hbm>> -> memref<1x1x2048xf32, #tpu.memory_space<hbm>>
    %dma_start3A_453 = tpu.memref_squeeze %dma_start3A_452 : memref<1x1x2048xf32, #tpu.memory_space<hbm>> -> memref<2048xf32, #tpu.memory_space<hbm>>
    %dma_start3A_454 = arith.constant 0 : i32
    %dma_start3A_455 = tpu.memref_slice %arg4[%add3A, %dma_start3A_448, %dma_start3A_454] : memref<32x38x2048xf32, #tpu.memory_space<hbm>> -> memref<1x1x2048xf32, #tpu.memory_space<hbm>>
    %dma_start3A_456 = tpu.memref_squeeze %dma_start3A_455 : memref<1x1x2048xf32, #tpu.memory_space<hbm>> -> memref<2048xf32, #tpu.memory_space<hbm>>
    %dma_start3A_457 = arith.constant 75776 : i32
    %dma_start3A_458 = tpu.memref_slice %arg5[%dma_start3A_457] : memref<77824xf32, #tpu.memory_space<vmem>> -> memref<2048xf32, #tpu.memory_space<vmem>>
    tpu.enqueue_dma source(%dma_start3A_458 : memref<2048xf32, #tpu.memory_space<vmem>>) target(%dma_start3A_456 : memref<2048xf32, #tpu.memory_space<hbm>>) target_semaphore(%arg8 : memref<!tpu.dma_semaphore, #tpu.memory_space<semaphore_mem>>)
    %dma_wait3A = arith.constant 0 : i32
    %dma_wait3A_459 = arith.constant 0 : i32
    %dma_wait3A_460 = tpu.memref_slice %arg5[%dma_wait3A_459] : memref<77824xf32, #tpu.memory_space<vmem>> -> memref<2048xf32, #tpu.memory_space<vmem>>
    %dma_wait3A_461 = arith.constant 0 : i32
    %dma_wait3A_462 = tpu.memref_slice %arg4[%add3A, %dma_wait3A, %dma_wait3A_461] : memref<32x38x2048xf32, #tpu.memory_space<hbm>> -> memref<1x1x2048xf32, #tpu.memory_space<hbm>>
    %dma_wait3A_463 = tpu.memref_squeeze %dma_wait3A_462 : memref<1x1x2048xf32, #tpu.memory_space<hbm>> -> memref<2048xf32, #tpu.memory_space<hbm>>
    %dma_wait3A_464 = arith.constant 0 : i32
    %dma_wait3A_465 = tpu.memref_slice %arg4[%add3A, %dma_wait3A, %dma_wait3A_464] : memref<32x38x2048xf32, #tpu.memory_space<hbm>> -> memref<1x1x2048xf32, #tpu.memory_space<hbm>>
    %dma_wait3A_466 = tpu.memref_squeeze %dma_wait3A_465 : memref<1x1x2048xf32, #tpu.memory_space<hbm>> -> memref<2048xf32, #tpu.memory_space<hbm>>
    %dma_wait3A_467 = arith.constant 0 : i32
    %dma_wait3A_468 = tpu.memref_slice %arg5[%dma_wait3A_467] : memref<77824xf32, #tpu.memory_space<vmem>> -> memref<2048xf32, #tpu.memory_space<vmem>>
    tpu.wait_dma2 semaphore(%arg8 : memref<!tpu.dma_semaphore, #tpu.memory_space<semaphore_mem>>) src(%dma_wait3A_468 : memref<2048xf32, #tpu.memory_space<vmem>>) dst(%dma_wait3A_466 : memref<2048xf32, #tpu.memory_space<hbm>>)
    %dma_wait3A_469 = arith.constant 1 : i32
    %dma_wait3A_470 = arith.constant 2048 : i32
    %dma_wait3A_471 = tpu.memref_slice %arg5[%dma_wait3A_470] : memref<77824xf32, #tpu.memory_space<vmem>> -> memref<2048xf32, #tpu.memory_space<vmem>>
    %dma_wait3A_472 = arith.constant 0 : i32
    %dma_wait3A_473 = tpu.memref_slice %arg4[%add3A, %dma_wait3A_469, %dma_wait3A_472] : memref<32x38x2048xf32, #tpu.memory_space<hbm>> -> memref<1x1x2048xf32, #tpu.memory_space<hbm>>
    %dma_wait3A_474 = tpu.memref_squeeze %dma_wait3A_473 : memref<1x1x2048xf32, #tpu.memory_space<hbm>> -> memref<2048xf32, #tpu.memory_space<hbm>>
    %dma_wait3A_475 = arith.constant 0 : i32
    %dma_wait3A_476 = tpu.memref_slice %arg4[%add3A, %dma_wait3A_469, %dma_wait3A_475] : memref<32x38x2048xf32, #tpu.memory_space<hbm>> -> memref<1x1x2048xf32, #tpu.memory_space<hbm>>
    %dma_wait3A_477 = tpu.memref_squeeze %dma_wait3A_476 : memref<1x1x2048xf32, #tpu.memory_space<hbm>> -> memref<2048xf32, #tpu.memory_space<hbm>>
    %dma_wait3A_478 = arith.constant 2048 : i32
    %dma_wait3A_479 = tpu.memref_slice %arg5[%dma_wait3A_478] : memref<77824xf32, #tpu.memory_space<vmem>> -> memref<2048xf32, #tpu.memory_space<vmem>>
    tpu.wait_dma2 semaphore(%arg8 : memref<!tpu.dma_semaphore, #tpu.memory_space<semaphore_mem>>) src(%dma_wait3A_479 : memref<2048xf32, #tpu.memory_space<vmem>>) dst(%dma_wait3A_477 : memref<2048xf32, #tpu.memory_space<hbm>>)
    %dma_wait3A_480 = arith.constant 2 : i32
    %dma_wait3A_481 = arith.constant 4096 : i32
    %dma_wait3A_482 = tpu.memref_slice %arg5[%dma_wait3A_481] : memref<77824xf32, #tpu.memory_space<vmem>> -> memref<2048xf32, #tpu.memory_space<vmem>>
    %dma_wait3A_483 = arith.constant 0 : i32
    %dma_wait3A_484 = tpu.memref_slice %arg4[%add3A, %dma_wait3A_480, %dma_wait3A_483] : memref<32x38x2048xf32, #tpu.memory_space<hbm>> -> memref<1x1x2048xf32, #tpu.memory_space<hbm>>
    %dma_wait3A_485 = tpu.memref_squeeze %dma_wait3A_484 : memref<1x1x2048xf32, #tpu.memory_space<hbm>> -> memref<2048xf32, #tpu.memory_space<hbm>>
    %dma_wait3A_486 = arith.constant 0 : i32
    %dma_wait3A_487 = tpu.memref_slice %arg4[%add3A, %dma_wait3A_480, %dma_wait3A_486] : memref<32x38x2048xf32, #tpu.memory_space<hbm>> -> memref<1x1x2048xf32, #tpu.memory_space<hbm>>
    %dma_wait3A_488 = tpu.memref_squeeze %dma_wait3A_487 : memref<1x1x2048xf32, #tpu.memory_space<hbm>> -> memref<2048xf32, #tpu.memory_space<hbm>>
    %dma_wait3A_489 = arith.constant 4096 : i32
    %dma_wait3A_490 = tpu.memref_slice %arg5[%dma_wait3A_489] : memref<77824xf32, #tpu.memory_space<vmem>> -> memref<2048xf32, #tpu.memory_space<vmem>>
    tpu.wait_dma2 semaphore(%arg8 : memref<!tpu.dma_semaphore, #tpu.memory_space<semaphore_mem>>) src(%dma_wait3A_490 : memref<2048xf32, #tpu.memory_space<vmem>>) dst(%dma_wait3A_488 : memref<2048xf32, #tpu.memory_space<hbm>>)
    %dma_wait3A_491 = arith.constant 3 : i32
    %dma_wait3A_492 = arith.constant 6144 : i32
    %dma_wait3A_493 = tpu.memref_slice %arg5[%dma_wait3A_492] : memref<77824xf32, #tpu.memory_space<vmem>> -> memref<2048xf32, #tpu.memory_space<vmem>>
    %dma_wait3A_494 = arith.constant 0 : i32
    %dma_wait3A_495 = tpu.memref_slice %arg4[%add3A, %dma_wait3A_491, %dma_wait3A_494] : memref<32x38x2048xf32, #tpu.memory_space<hbm>> -> memref<1x1x2048xf32, #tpu.memory_space<hbm>>
    %dma_wait3A_496 = tpu.memref_squeeze %dma_wait3A_495 : memref<1x1x2048xf32, #tpu.memory_space<hbm>> -> memref<2048xf32, #tpu.memory_space<hbm>>
    %dma_wait3A_497 = arith.constant 0 : i32
    %dma_wait3A_498 = tpu.memref_slice %arg4[%add3A, %dma_wait3A_491, %dma_wait3A_497] : memref<32x38x2048xf32, #tpu.memory_space<hbm>> -> memref<1x1x2048xf32, #tpu.memory_space<hbm>>
    %dma_wait3A_499 = tpu.memref_squeeze %dma_wait3A_498 : memref<1x1x2048xf32, #tpu.memory_space<hbm>> -> memref<2048xf32, #tpu.memory_space<hbm>>
    %dma_wait3A_500 = arith.constant 6144 : i32
    %dma_wait3A_501 = tpu.memref_slice %arg5[%dma_wait3A_500] : memref<77824xf32, #tpu.memory_space<vmem>> -> memref<2048xf32, #tpu.memory_space<vmem>>
    tpu.wait_dma2 semaphore(%arg8 : memref<!tpu.dma_semaphore, #tpu.memory_space<semaphore_mem>>) src(%dma_wait3A_501 : memref<2048xf32, #tpu.memory_space<vmem>>) dst(%dma_wait3A_499 : memref<2048xf32, #tpu.memory_space<hbm>>)
    %dma_wait3A_502 = arith.constant 4 : i32
    %dma_wait3A_503 = arith.constant 8192 : i32
    %dma_wait3A_504 = tpu.memref_slice %arg5[%dma_wait3A_503] : memref<77824xf32, #tpu.memory_space<vmem>> -> memref<2048xf32, #tpu.memory_space<vmem>>
    %dma_wait3A_505 = arith.constant 0 : i32
    %dma_wait3A_506 = tpu.memref_slice %arg4[%add3A, %dma_wait3A_502, %dma_wait3A_505] : memref<32x38x2048xf32, #tpu.memory_space<hbm>> -> memref<1x1x2048xf32, #tpu.memory_space<hbm>>
    %dma_wait3A_507 = tpu.memref_squeeze %dma_wait3A_506 : memref<1x1x2048xf32, #tpu.memory_space<hbm>> -> memref<2048xf32, #tpu.memory_space<hbm>>
    %dma_wait3A_508 = arith.constant 0 : i32
    %dma_wait3A_509 = tpu.memref_slice %arg4[%add3A, %dma_wait3A_502, %dma_wait3A_508] : memref<32x38x2048xf32, #tpu.memory_space<hbm>> -> memref<1x1x2048xf32, #tpu.memory_space<hbm>>
    %dma_wait3A_510 = tpu.memref_squeeze %dma_wait3A_509 : memref<1x1x2048xf32, #tpu.memory_space<hbm>> -> memref<2048xf32, #tpu.memory_space<hbm>>
    %dma_wait3A_511 = arith.constant 8192 : i32
    %dma_wait3A_512 = tpu.memref_slice %arg5[%dma_wait3A_511] : memref<77824xf32, #tpu.memory_space<vmem>> -> memref<2048xf32, #tpu.memory_space<vmem>>
    tpu.wait_dma2 semaphore(%arg8 : memref<!tpu.dma_semaphore, #tpu.memory_space<semaphore_mem>>) src(%dma_wait3A_512 : memref<2048xf32, #tpu.memory_space<vmem>>) dst(%dma_wait3A_510 : memref<2048xf32, #tpu.memory_space<hbm>>)
    %dma_wait3A_513 = arith.constant 5 : i32
    %dma_wait3A_514 = arith.constant 10240 : i32
    %dma_wait3A_515 = tpu.memref_slice %arg5[%dma_wait3A_514] : memref<77824xf32, #tpu.memory_space<vmem>> -> memref<2048xf32, #tpu.memory_space<vmem>>
    %dma_wait3A_516 = arith.constant 0 : i32
    %dma_wait3A_517 = tpu.memref_slice %arg4[%add3A, %dma_wait3A_513, %dma_wait3A_516] : memref<32x38x2048xf32, #tpu.memory_space<hbm>> -> memref<1x1x2048xf32, #tpu.memory_space<hbm>>
    %dma_wait3A_518 = tpu.memref_squeeze %dma_wait3A_517 : memref<1x1x2048xf32, #tpu.memory_space<hbm>> -> memref<2048xf32, #tpu.memory_space<hbm>>
    %dma_wait3A_519 = arith.constant 0 : i32
    %dma_wait3A_520 = tpu.memref_slice %arg4[%add3A, %dma_wait3A_513, %dma_wait3A_519] : memref<32x38x2048xf32, #tpu.memory_space<hbm>> -> memref<1x1x2048xf32, #tpu.memory_space<hbm>>
    %dma_wait3A_521 = tpu.memref_squeeze %dma_wait3A_520 : memref<1x1x2048xf32, #tpu.memory_space<hbm>> -> memref<2048xf32, #tpu.memory_space<hbm>>
    %dma_wait3A_522 = arith.constant 10240 : i32
    %dma_wait3A_523 = tpu.memref_slice %arg5[%dma_wait3A_522] : memref<77824xf32, #tpu.memory_space<vmem>> -> memref<2048xf32, #tpu.memory_space<vmem>>
    tpu.wait_dma2 semaphore(%arg8 : memref<!tpu.dma_semaphore, #tpu.memory_space<semaphore_mem>>) src(%dma_wait3A_523 : memref<2048xf32, #tpu.memory_space<vmem>>) dst(%dma_wait3A_521 : memref<2048xf32, #tpu.memory_space<hbm>>)
    %dma_wait3A_524 = arith.constant 6 : i32
    %dma_wait3A_525 = arith.constant 12288 : i32
    %dma_wait3A_526 = tpu.memref_slice %arg5[%dma_wait3A_525] : memref<77824xf32, #tpu.memory_space<vmem>> -> memref<2048xf32, #tpu.memory_space<vmem>>
    %dma_wait3A_527 = arith.constant 0 : i32
    %dma_wait3A_528 = tpu.memref_slice %arg4[%add3A, %dma_wait3A_524, %dma_wait3A_527] : memref<32x38x2048xf32, #tpu.memory_space<hbm>> -> memref<1x1x2048xf32, #tpu.memory_space<hbm>>
    %dma_wait3A_529 = tpu.memref_squeeze %dma_wait3A_528 : memref<1x1x2048xf32, #tpu.memory_space<hbm>> -> memref<2048xf32, #tpu.memory_space<hbm>>
    %dma_wait3A_530 = arith.constant 0 : i32
    %dma_wait3A_531 = tpu.memref_slice %arg4[%add3A, %dma_wait3A_524, %dma_wait3A_530] : memref<32x38x2048xf32, #tpu.memory_space<hbm>> -> memref<1x1x2048xf32, #tpu.memory_space<hbm>>
    %dma_wait3A_532 = tpu.memref_squeeze %dma_wait3A_531 : memref<1x1x2048xf32, #tpu.memory_space<hbm>> -> memref<2048xf32, #tpu.memory_space<hbm>>
    %dma_wait3A_533 = arith.constant 12288 : i32
    %dma_wait3A_534 = tpu.memref_slice %arg5[%dma_wait3A_533] : memref<77824xf32, #tpu.memory_space<vmem>> -> memref<2048xf32, #tpu.memory_space<vmem>>
    tpu.wait_dma2 semaphore(%arg8 : memref<!tpu.dma_semaphore, #tpu.memory_space<semaphore_mem>>) src(%dma_wait3A_534 : memref<2048xf32, #tpu.memory_space<vmem>>) dst(%dma_wait3A_532 : memref<2048xf32, #tpu.memory_space<hbm>>)
    %dma_wait3A_535 = arith.constant 7 : i32
    %dma_wait3A_536 = arith.constant 14336 : i32
    %dma_wait3A_537 = tpu.memref_slice %arg5[%dma_wait3A_536] : memref<77824xf32, #tpu.memory_space<vmem>> -> memref<2048xf32, #tpu.memory_space<vmem>>
    %dma_wait3A_538 = arith.constant 0 : i32
    %dma_wait3A_539 = tpu.memref_slice %arg4[%add3A, %dma_wait3A_535, %dma_wait3A_538] : memref<32x38x2048xf32, #tpu.memory_space<hbm>> -> memref<1x1x2048xf32, #tpu.memory_space<hbm>>
    %dma_wait3A_540 = tpu.memref_squeeze %dma_wait3A_539 : memref<1x1x2048xf32, #tpu.memory_space<hbm>> -> memref<2048xf32, #tpu.memory_space<hbm>>
    %dma_wait3A_541 = arith.constant 0 : i32
    %dma_wait3A_542 = tpu.memref_slice %arg4[%add3A, %dma_wait3A_535, %dma_wait3A_541] : memref<32x38x2048xf32, #tpu.memory_space<hbm>> -> memref<1x1x2048xf32, #tpu.memory_space<hbm>>
    %dma_wait3A_543 = tpu.memref_squeeze %dma_wait3A_542 : memref<1x1x2048xf32, #tpu.memory_space<hbm>> -> memref<2048xf32, #tpu.memory_space<hbm>>
    %dma_wait3A_544 = arith.constant 14336 : i32
    %dma_wait3A_545 = tpu.memref_slice %arg5[%dma_wait3A_544] : memref<77824xf32, #tpu.memory_space<vmem>> -> memref<2048xf32, #tpu.memory_space<vmem>>
    tpu.wait_dma2 semaphore(%arg8 : memref<!tpu.dma_semaphore, #tpu.memory_space<semaphore_mem>>) src(%dma_wait3A_545 : memref<2048xf32, #tpu.memory_space<vmem>>) dst(%dma_wait3A_543 : memref<2048xf32, #tpu.memory_space<hbm>>)
    %dma_wait3A_546 = arith.constant 8 : i32
    %dma_wait3A_547 = arith.constant 16384 : i32
    %dma_wait3A_548 = tpu.memref_slice %arg5[%dma_wait3A_547] : memref<77824xf32, #tpu.memory_space<vmem>> -> memref<2048xf32, #tpu.memory_space<vmem>>
    %dma_wait3A_549 = arith.constant 0 : i32
    %dma_wait3A_550 = tpu.memref_slice %arg4[%add3A, %dma_wait3A_546, %dma_wait3A_549] : memref<32x38x2048xf32, #tpu.memory_space<hbm>> -> memref<1x1x2048xf32, #tpu.memory_space<hbm>>
    %dma_wait3A_551 = tpu.memref_squeeze %dma_wait3A_550 : memref<1x1x2048xf32, #tpu.memory_space<hbm>> -> memref<2048xf32, #tpu.memory_space<hbm>>
    %dma_wait3A_552 = arith.constant 0 : i32
    %dma_wait3A_553 = tpu.memref_slice %arg4[%add3A, %dma_wait3A_546, %dma_wait3A_552] : memref<32x38x2048xf32, #tpu.memory_space<hbm>> -> memref<1x1x2048xf32, #tpu.memory_space<hbm>>
    %dma_wait3A_554 = tpu.memref_squeeze %dma_wait3A_553 : memref<1x1x2048xf32, #tpu.memory_space<hbm>> -> memref<2048xf32, #tpu.memory_space<hbm>>
    %dma_wait3A_555 = arith.constant 16384 : i32
    %dma_wait3A_556 = tpu.memref_slice %arg5[%dma_wait3A_555] : memref<77824xf32, #tpu.memory_space<vmem>> -> memref<2048xf32, #tpu.memory_space<vmem>>
    tpu.wait_dma2 semaphore(%arg8 : memref<!tpu.dma_semaphore, #tpu.memory_space<semaphore_mem>>) src(%dma_wait3A_556 : memref<2048xf32, #tpu.memory_space<vmem>>) dst(%dma_wait3A_554 : memref<2048xf32, #tpu.memory_space<hbm>>)
    %dma_wait3A_557 = arith.constant 9 : i32
    %dma_wait3A_558 = arith.constant 18432 : i32
    %dma_wait3A_559 = tpu.memref_slice %arg5[%dma_wait3A_558] : memref<77824xf32, #tpu.memory_space<vmem>> -> memref<2048xf32, #tpu.memory_space<vmem>>
    %dma_wait3A_560 = arith.constant 0 : i32
    %dma_wait3A_561 = tpu.memref_slice %arg4[%add3A, %dma_wait3A_557, %dma_wait3A_560] : memref<32x38x2048xf32, #tpu.memory_space<hbm>> -> memref<1x1x2048xf32, #tpu.memory_space<hbm>>
    %dma_wait3A_562 = tpu.memref_squeeze %dma_wait3A_561 : memref<1x1x2048xf32, #tpu.memory_space<hbm>> -> memref<2048xf32, #tpu.memory_space<hbm>>
    %dma_wait3A_563 = arith.constant 0 : i32
    %dma_wait3A_564 = tpu.memref_slice %arg4[%add3A, %dma_wait3A_557, %dma_wait3A_563] : memref<32x38x2048xf32, #tpu.memory_space<hbm>> -> memref<1x1x2048xf32, #tpu.memory_space<hbm>>
    %dma_wait3A_565 = tpu.memref_squeeze %dma_wait3A_564 : memref<1x1x2048xf32, #tpu.memory_space<hbm>> -> memref<2048xf32, #tpu.memory_space<hbm>>
    %dma_wait3A_566 = arith.constant 18432 : i32
    %dma_wait3A_567 = tpu.memref_slice %arg5[%dma_wait3A_566] : memref<77824xf32, #tpu.memory_space<vmem>> -> memref<2048xf32, #tpu.memory_space<vmem>>
    tpu.wait_dma2 semaphore(%arg8 : memref<!tpu.dma_semaphore, #tpu.memory_space<semaphore_mem>>) src(%dma_wait3A_567 : memref<2048xf32, #tpu.memory_space<vmem>>) dst(%dma_wait3A_565 : memref<2048xf32, #tpu.memory_space<hbm>>)
    %dma_wait3A_568 = arith.constant 10 : i32
    %dma_wait3A_569 = arith.constant 20480 : i32
    %dma_wait3A_570 = tpu.memref_slice %arg5[%dma_wait3A_569] : memref<77824xf32, #tpu.memory_space<vmem>> -> memref<2048xf32, #tpu.memory_space<vmem>>
    %dma_wait3A_571 = arith.constant 0 : i32
    %dma_wait3A_572 = tpu.memref_slice %arg4[%add3A, %dma_wait3A_568, %dma_wait3A_571] : memref<32x38x2048xf32, #tpu.memory_space<hbm>> -> memref<1x1x2048xf32, #tpu.memory_space<hbm>>
    %dma_wait3A_573 = tpu.memref_squeeze %dma_wait3A_572 : memref<1x1x2048xf32, #tpu.memory_space<hbm>> -> memref<2048xf32, #tpu.memory_space<hbm>>
    %dma_wait3A_574 = arith.constant 0 : i32
    %dma_wait3A_575 = tpu.memref_slice %arg4[%add3A, %dma_wait3A_568, %dma_wait3A_574] : memref<32x38x2048xf32, #tpu.memory_space<hbm>> -> memref<1x1x2048xf32, #tpu.memory_space<hbm>>
    %dma_wait3A_576 = tpu.memref_squeeze %dma_wait3A_575 : memref<1x1x2048xf32, #tpu.memory_space<hbm>> -> memref<2048xf32, #tpu.memory_space<hbm>>
    %dma_wait3A_577 = arith.constant 20480 : i32
    %dma_wait3A_578 = tpu.memref_slice %arg5[%dma_wait3A_577] : memref<77824xf32, #tpu.memory_space<vmem>> -> memref<2048xf32, #tpu.memory_space<vmem>>
    tpu.wait_dma2 semaphore(%arg8 : memref<!tpu.dma_semaphore, #tpu.memory_space<semaphore_mem>>) src(%dma_wait3A_578 : memref<2048xf32, #tpu.memory_space<vmem>>) dst(%dma_wait3A_576 : memref<2048xf32, #tpu.memory_space<hbm>>)
    %dma_wait3A_579 = arith.constant 11 : i32
    %dma_wait3A_580 = arith.constant 22528 : i32
    %dma_wait3A_581 = tpu.memref_slice %arg5[%dma_wait3A_580] : memref<77824xf32, #tpu.memory_space<vmem>> -> memref<2048xf32, #tpu.memory_space<vmem>>
    %dma_wait3A_582 = arith.constant 0 : i32
    %dma_wait3A_583 = tpu.memref_slice %arg4[%add3A, %dma_wait3A_579, %dma_wait3A_582] : memref<32x38x2048xf32, #tpu.memory_space<hbm>> -> memref<1x1x2048xf32, #tpu.memory_space<hbm>>
    %dma_wait3A_584 = tpu.memref_squeeze %dma_wait3A_583 : memref<1x1x2048xf32, #tpu.memory_space<hbm>> -> memref<2048xf32, #tpu.memory_space<hbm>>
    %dma_wait3A_585 = arith.constant 0 : i32
    %dma_wait3A_586 = tpu.memref_slice %arg4[%add3A, %dma_wait3A_579, %dma_wait3A_585] : memref<32x38x2048xf32, #tpu.memory_space<hbm>> -> memref<1x1x2048xf32, #tpu.memory_space<hbm>>
    %dma_wait3A_587 = tpu.memref_squeeze %dma_wait3A_586 : memref<1x1x2048xf32, #tpu.memory_space<hbm>> -> memref<2048xf32, #tpu.memory_space<hbm>>
    %dma_wait3A_588 = arith.constant 22528 : i32
    %dma_wait3A_589 = tpu.memref_slice %arg5[%dma_wait3A_588] : memref<77824xf32, #tpu.memory_space<vmem>> -> memref<2048xf32, #tpu.memory_space<vmem>>
    tpu.wait_dma2 semaphore(%arg8 : memref<!tpu.dma_semaphore, #tpu.memory_space<semaphore_mem>>) src(%dma_wait3A_589 : memref<2048xf32, #tpu.memory_space<vmem>>) dst(%dma_wait3A_587 : memref<2048xf32, #tpu.memory_space<hbm>>)
    %dma_wait3A_590 = arith.constant 12 : i32
    %dma_wait3A_591 = arith.constant 24576 : i32
    %dma_wait3A_592 = tpu.memref_slice %arg5[%dma_wait3A_591] : memref<77824xf32, #tpu.memory_space<vmem>> -> memref<2048xf32, #tpu.memory_space<vmem>>
    %dma_wait3A_593 = arith.constant 0 : i32
    %dma_wait3A_594 = tpu.memref_slice %arg4[%add3A, %dma_wait3A_590, %dma_wait3A_593] : memref<32x38x2048xf32, #tpu.memory_space<hbm>> -> memref<1x1x2048xf32, #tpu.memory_space<hbm>>
    %dma_wait3A_595 = tpu.memref_squeeze %dma_wait3A_594 : memref<1x1x2048xf32, #tpu.memory_space<hbm>> -> memref<2048xf32, #tpu.memory_space<hbm>>
    %dma_wait3A_596 = arith.constant 0 : i32
    %dma_wait3A_597 = tpu.memref_slice %arg4[%add3A, %dma_wait3A_590, %dma_wait3A_596] : memref<32x38x2048xf32, #tpu.memory_space<hbm>> -> memref<1x1x2048xf32, #tpu.memory_space<hbm>>
    %dma_wait3A_598 = tpu.memref_squeeze %dma_wait3A_597 : memref<1x1x2048xf32, #tpu.memory_space<hbm>> -> memref<2048xf32, #tpu.memory_space<hbm>>
    %dma_wait3A_599 = arith.constant 24576 : i32
    %dma_wait3A_600 = tpu.memref_slice %arg5[%dma_wait3A_599] : memref<77824xf32, #tpu.memory_space<vmem>> -> memref<2048xf32, #tpu.memory_space<vmem>>
    tpu.wait_dma2 semaphore(%arg8 : memref<!tpu.dma_semaphore, #tpu.memory_space<semaphore_mem>>) src(%dma_wait3A_600 : memref<2048xf32, #tpu.memory_space<vmem>>) dst(%dma_wait3A_598 : memref<2048xf32, #tpu.memory_space<hbm>>)
    %dma_wait3A_601 = arith.constant 13 : i32
    %dma_wait3A_602 = arith.constant 26624 : i32
    %dma_wait3A_603 = tpu.memref_slice %arg5[%dma_wait3A_602] : memref<77824xf32, #tpu.memory_space<vmem>> -> memref<2048xf32, #tpu.memory_space<vmem>>
    %dma_wait3A_604 = arith.constant 0 : i32
    %dma_wait3A_605 = tpu.memref_slice %arg4[%add3A, %dma_wait3A_601, %dma_wait3A_604] : memref<32x38x2048xf32, #tpu.memory_space<hbm>> -> memref<1x1x2048xf32, #tpu.memory_space<hbm>>
    %dma_wait3A_606 = tpu.memref_squeeze %dma_wait3A_605 : memref<1x1x2048xf32, #tpu.memory_space<hbm>> -> memref<2048xf32, #tpu.memory_space<hbm>>
    %dma_wait3A_607 = arith.constant 0 : i32
    %dma_wait3A_608 = tpu.memref_slice %arg4[%add3A, %dma_wait3A_601, %dma_wait3A_607] : memref<32x38x2048xf32, #tpu.memory_space<hbm>> -> memref<1x1x2048xf32, #tpu.memory_space<hbm>>
    %dma_wait3A_609 = tpu.memref_squeeze %dma_wait3A_608 : memref<1x1x2048xf32, #tpu.memory_space<hbm>> -> memref<2048xf32, #tpu.memory_space<hbm>>
    %dma_wait3A_610 = arith.constant 26624 : i32
    %dma_wait3A_611 = tpu.memref_slice %arg5[%dma_wait3A_610] : memref<77824xf32, #tpu.memory_space<vmem>> -> memref<2048xf32, #tpu.memory_space<vmem>>
    tpu.wait_dma2 semaphore(%arg8 : memref<!tpu.dma_semaphore, #tpu.memory_space<semaphore_mem>>) src(%dma_wait3A_611 : memref<2048xf32, #tpu.memory_space<vmem>>) dst(%dma_wait3A_609 : memref<2048xf32, #tpu.memory_space<hbm>>)
    %dma_wait3A_612 = arith.constant 14 : i32
    %dma_wait3A_613 = arith.constant 28672 : i32
    %dma_wait3A_614 = tpu.memref_slice %arg5[%dma_wait3A_613] : memref<77824xf32, #tpu.memory_space<vmem>> -> memref<2048xf32, #tpu.memory_space<vmem>>
    %dma_wait3A_615 = arith.constant 0 : i32
    %dma_wait3A_616 = tpu.memref_slice %arg4[%add3A, %dma_wait3A_612, %dma_wait3A_615] : memref<32x38x2048xf32, #tpu.memory_space<hbm>> -> memref<1x1x2048xf32, #tpu.memory_space<hbm>>
    %dma_wait3A_617 = tpu.memref_squeeze %dma_wait3A_616 : memref<1x1x2048xf32, #tpu.memory_space<hbm>> -> memref<2048xf32, #tpu.memory_space<hbm>>
    %dma_wait3A_618 = arith.constant 0 : i32
    %dma_wait3A_619 = tpu.memref_slice %arg4[%add3A, %dma_wait3A_612, %dma_wait3A_618] : memref<32x38x2048xf32, #tpu.memory_space<hbm>> -> memref<1x1x2048xf32, #tpu.memory_space<hbm>>
    %dma_wait3A_620 = tpu.memref_squeeze %dma_wait3A_619 : memref<1x1x2048xf32, #tpu.memory_space<hbm>> -> memref<2048xf32, #tpu.memory_space<hbm>>
    %dma_wait3A_621 = arith.constant 28672 : i32
    %dma_wait3A_622 = tpu.memref_slice %arg5[%dma_wait3A_621] : memref<77824xf32, #tpu.memory_space<vmem>> -> memref<2048xf32, #tpu.memory_space<vmem>>
    tpu.wait_dma2 semaphore(%arg8 : memref<!tpu.dma_semaphore, #tpu.memory_space<semaphore_mem>>) src(%dma_wait3A_622 : memref<2048xf32, #tpu.memory_space<vmem>>) dst(%dma_wait3A_620 : memref<2048xf32, #tpu.memory_space<hbm>>)
    %dma_wait3A_623 = arith.constant 15 : i32
    %dma_wait3A_624 = arith.constant 30720 : i32
    %dma_wait3A_625 = tpu.memref_slice %arg5[%dma_wait3A_624] : memref<77824xf32, #tpu.memory_space<vmem>> -> memref<2048xf32, #tpu.memory_space<vmem>>
    %dma_wait3A_626 = arith.constant 0 : i32
    %dma_wait3A_627 = tpu.memref_slice %arg4[%add3A, %dma_wait3A_623, %dma_wait3A_626] : memref<32x38x2048xf32, #tpu.memory_space<hbm>> -> memref<1x1x2048xf32, #tpu.memory_space<hbm>>
    %dma_wait3A_628 = tpu.memref_squeeze %dma_wait3A_627 : memref<1x1x2048xf32, #tpu.memory_space<hbm>> -> memref<2048xf32, #tpu.memory_space<hbm>>
    %dma_wait3A_629 = arith.constant 0 : i32
    %dma_wait3A_630 = tpu.memref_slice %arg4[%add3A, %dma_wait3A_623, %dma_wait3A_629] : memref<32x38x2048xf32, #tpu.memory_space<hbm>> -> memref<1x1x2048xf32, #tpu.memory_space<hbm>>
    %dma_wait3A_631 = tpu.memref_squeeze %dma_wait3A_630 : memref<1x1x2048xf32, #tpu.memory_space<hbm>> -> memref<2048xf32, #tpu.memory_space<hbm>>
    %dma_wait3A_632 = arith.constant 30720 : i32
    %dma_wait3A_633 = tpu.memref_slice %arg5[%dma_wait3A_632] : memref<77824xf32, #tpu.memory_space<vmem>> -> memref<2048xf32, #tpu.memory_space<vmem>>
    tpu.wait_dma2 semaphore(%arg8 : memref<!tpu.dma_semaphore, #tpu.memory_space<semaphore_mem>>) src(%dma_wait3A_633 : memref<2048xf32, #tpu.memory_space<vmem>>) dst(%dma_wait3A_631 : memref<2048xf32, #tpu.memory_space<hbm>>)
    %dma_wait3A_634 = arith.constant 16 : i32
    %dma_wait3A_635 = arith.constant 32768 : i32
    %dma_wait3A_636 = tpu.memref_slice %arg5[%dma_wait3A_635] : memref<77824xf32, #tpu.memory_space<vmem>> -> memref<2048xf32, #tpu.memory_space<vmem>>
    %dma_wait3A_637 = arith.constant 0 : i32
    %dma_wait3A_638 = tpu.memref_slice %arg4[%add3A, %dma_wait3A_634, %dma_wait3A_637] : memref<32x38x2048xf32, #tpu.memory_space<hbm>> -> memref<1x1x2048xf32, #tpu.memory_space<hbm>>
    %dma_wait3A_639 = tpu.memref_squeeze %dma_wait3A_638 : memref<1x1x2048xf32, #tpu.memory_space<hbm>> -> memref<2048xf32, #tpu.memory_space<hbm>>
    %dma_wait3A_640 = arith.constant 0 : i32
    %dma_wait3A_641 = tpu.memref_slice %arg4[%add3A, %dma_wait3A_634, %dma_wait3A_640] : memref<32x38x2048xf32, #tpu.memory_space<hbm>> -> memref<1x1x2048xf32, #tpu.memory_space<hbm>>
    %dma_wait3A_642 = tpu.memref_squeeze %dma_wait3A_641 : memref<1x1x2048xf32, #tpu.memory_space<hbm>> -> memref<2048xf32, #tpu.memory_space<hbm>>
    %dma_wait3A_643 = arith.constant 32768 : i32
    %dma_wait3A_644 = tpu.memref_slice %arg5[%dma_wait3A_643] : memref<77824xf32, #tpu.memory_space<vmem>> -> memref<2048xf32, #tpu.memory_space<vmem>>
    tpu.wait_dma2 semaphore(%arg8 : memref<!tpu.dma_semaphore, #tpu.memory_space<semaphore_mem>>) src(%dma_wait3A_644 : memref<2048xf32, #tpu.memory_space<vmem>>) dst(%dma_wait3A_642 : memref<2048xf32, #tpu.memory_space<hbm>>)
    %dma_wait3A_645 = arith.constant 17 : i32
    %dma_wait3A_646 = arith.constant 34816 : i32
    %dma_wait3A_647 = tpu.memref_slice %arg5[%dma_wait3A_646] : memref<77824xf32, #tpu.memory_space<vmem>> -> memref<2048xf32, #tpu.memory_space<vmem>>
    %dma_wait3A_648 = arith.constant 0 : i32
    %dma_wait3A_649 = tpu.memref_slice %arg4[%add3A, %dma_wait3A_645, %dma_wait3A_648] : memref<32x38x2048xf32, #tpu.memory_space<hbm>> -> memref<1x1x2048xf32, #tpu.memory_space<hbm>>
    %dma_wait3A_650 = tpu.memref_squeeze %dma_wait3A_649 : memref<1x1x2048xf32, #tpu.memory_space<hbm>> -> memref<2048xf32, #tpu.memory_space<hbm>>
    %dma_wait3A_651 = arith.constant 0 : i32
    %dma_wait3A_652 = tpu.memref_slice %arg4[%add3A, %dma_wait3A_645, %dma_wait3A_651] : memref<32x38x2048xf32, #tpu.memory_space<hbm>> -> memref<1x1x2048xf32, #tpu.memory_space<hbm>>
    %dma_wait3A_653 = tpu.memref_squeeze %dma_wait3A_652 : memref<1x1x2048xf32, #tpu.memory_space<hbm>> -> memref<2048xf32, #tpu.memory_space<hbm>>
    %dma_wait3A_654 = arith.constant 34816 : i32
    %dma_wait3A_655 = tpu.memref_slice %arg5[%dma_wait3A_654] : memref<77824xf32, #tpu.memory_space<vmem>> -> memref<2048xf32, #tpu.memory_space<vmem>>
    tpu.wait_dma2 semaphore(%arg8 : memref<!tpu.dma_semaphore, #tpu.memory_space<semaphore_mem>>) src(%dma_wait3A_655 : memref<2048xf32, #tpu.memory_space<vmem>>) dst(%dma_wait3A_653 : memref<2048xf32, #tpu.memory_space<hbm>>)
    %dma_wait3A_656 = arith.constant 18 : i32
    %dma_wait3A_657 = arith.constant 36864 : i32
    %dma_wait3A_658 = tpu.memref_slice %arg5[%dma_wait3A_657] : memref<77824xf32, #tpu.memory_space<vmem>> -> memref<2048xf32, #tpu.memory_space<vmem>>
    %dma_wait3A_659 = arith.constant 0 : i32
    %dma_wait3A_660 = tpu.memref_slice %arg4[%add3A, %dma_wait3A_656, %dma_wait3A_659] : memref<32x38x2048xf32, #tpu.memory_space<hbm>> -> memref<1x1x2048xf32, #tpu.memory_space<hbm>>
    %dma_wait3A_661 = tpu.memref_squeeze %dma_wait3A_660 : memref<1x1x2048xf32, #tpu.memory_space<hbm>> -> memref<2048xf32, #tpu.memory_space<hbm>>
    %dma_wait3A_662 = arith.constant 0 : i32
    %dma_wait3A_663 = tpu.memref_slice %arg4[%add3A, %dma_wait3A_656, %dma_wait3A_662] : memref<32x38x2048xf32, #tpu.memory_space<hbm>> -> memref<1x1x2048xf32, #tpu.memory_space<hbm>>
    %dma_wait3A_664 = tpu.memref_squeeze %dma_wait3A_663 : memref<1x1x2048xf32, #tpu.memory_space<hbm>> -> memref<2048xf32, #tpu.memory_space<hbm>>
    %dma_wait3A_665 = arith.constant 36864 : i32
    %dma_wait3A_666 = tpu.memref_slice %arg5[%dma_wait3A_665] : memref<77824xf32, #tpu.memory_space<vmem>> -> memref<2048xf32, #tpu.memory_space<vmem>>
    tpu.wait_dma2 semaphore(%arg8 : memref<!tpu.dma_semaphore, #tpu.memory_space<semaphore_mem>>) src(%dma_wait3A_666 : memref<2048xf32, #tpu.memory_space<vmem>>) dst(%dma_wait3A_664 : memref<2048xf32, #tpu.memory_space<hbm>>)
    %dma_wait3A_667 = arith.constant 19 : i32
    %dma_wait3A_668 = arith.constant 38912 : i32
    %dma_wait3A_669 = tpu.memref_slice %arg5[%dma_wait3A_668] : memref<77824xf32, #tpu.memory_space<vmem>> -> memref<2048xf32, #tpu.memory_space<vmem>>
    %dma_wait3A_670 = arith.constant 0 : i32
    %dma_wait3A_671 = tpu.memref_slice %arg4[%add3A, %dma_wait3A_667, %dma_wait3A_670] : memref<32x38x2048xf32, #tpu.memory_space<hbm>> -> memref<1x1x2048xf32, #tpu.memory_space<hbm>>
    %dma_wait3A_672 = tpu.memref_squeeze %dma_wait3A_671 : memref<1x1x2048xf32, #tpu.memory_space<hbm>> -> memref<2048xf32, #tpu.memory_space<hbm>>
    %dma_wait3A_673 = arith.constant 0 : i32
    %dma_wait3A_674 = tpu.memref_slice %arg4[%add3A, %dma_wait3A_667, %dma_wait3A_673] : memref<32x38x2048xf32, #tpu.memory_space<hbm>> -> memref<1x1x2048xf32, #tpu.memory_space<hbm>>
    %dma_wait3A_675 = tpu.memref_squeeze %dma_wait3A_674 : memref<1x1x2048xf32, #tpu.memory_space<hbm>> -> memref<2048xf32, #tpu.memory_space<hbm>>
    %dma_wait3A_676 = arith.constant 38912 : i32
    %dma_wait3A_677 = tpu.memref_slice %arg5[%dma_wait3A_676] : memref<77824xf32, #tpu.memory_space<vmem>> -> memref<2048xf32, #tpu.memory_space<vmem>>
    tpu.wait_dma2 semaphore(%arg8 : memref<!tpu.dma_semaphore, #tpu.memory_space<semaphore_mem>>) src(%dma_wait3A_677 : memref<2048xf32, #tpu.memory_space<vmem>>) dst(%dma_wait3A_675 : memref<2048xf32, #tpu.memory_space<hbm>>)
    %dma_wait3A_678 = arith.constant 20 : i32
    %dma_wait3A_679 = arith.constant 40960 : i32
    %dma_wait3A_680 = tpu.memref_slice %arg5[%dma_wait3A_679] : memref<77824xf32, #tpu.memory_space<vmem>> -> memref<2048xf32, #tpu.memory_space<vmem>>
    %dma_wait3A_681 = arith.constant 0 : i32
    %dma_wait3A_682 = tpu.memref_slice %arg4[%add3A, %dma_wait3A_678, %dma_wait3A_681] : memref<32x38x2048xf32, #tpu.memory_space<hbm>> -> memref<1x1x2048xf32, #tpu.memory_space<hbm>>
    %dma_wait3A_683 = tpu.memref_squeeze %dma_wait3A_682 : memref<1x1x2048xf32, #tpu.memory_space<hbm>> -> memref<2048xf32, #tpu.memory_space<hbm>>
    %dma_wait3A_684 = arith.constant 0 : i32
    %dma_wait3A_685 = tpu.memref_slice %arg4[%add3A, %dma_wait3A_678, %dma_wait3A_684] : memref<32x38x2048xf32, #tpu.memory_space<hbm>> -> memref<1x1x2048xf32, #tpu.memory_space<hbm>>
    %dma_wait3A_686 = tpu.memref_squeeze %dma_wait3A_685 : memref<1x1x2048xf32, #tpu.memory_space<hbm>> -> memref<2048xf32, #tpu.memory_space<hbm>>
    %dma_wait3A_687 = arith.constant 40960 : i32
    %dma_wait3A_688 = tpu.memref_slice %arg5[%dma_wait3A_687] : memref<77824xf32, #tpu.memory_space<vmem>> -> memref<2048xf32, #tpu.memory_space<vmem>>
    tpu.wait_dma2 semaphore(%arg8 : memref<!tpu.dma_semaphore, #tpu.memory_space<semaphore_mem>>) src(%dma_wait3A_688 : memref<2048xf32, #tpu.memory_space<vmem>>) dst(%dma_wait3A_686 : memref<2048xf32, #tpu.memory_space<hbm>>)
    %dma_wait3A_689 = arith.constant 21 : i32
    %dma_wait3A_690 = arith.constant 43008 : i32
    %dma_wait3A_691 = tpu.memref_slice %arg5[%dma_wait3A_690] : memref<77824xf32, #tpu.memory_space<vmem>> -> memref<2048xf32, #tpu.memory_space<vmem>>
    %dma_wait3A_692 = arith.constant 0 : i32
    %dma_wait3A_693 = tpu.memref_slice %arg4[%add3A, %dma_wait3A_689, %dma_wait3A_692] : memref<32x38x2048xf32, #tpu.memory_space<hbm>> -> memref<1x1x2048xf32, #tpu.memory_space<hbm>>
    %dma_wait3A_694 = tpu.memref_squeeze %dma_wait3A_693 : memref<1x1x2048xf32, #tpu.memory_space<hbm>> -> memref<2048xf32, #tpu.memory_space<hbm>>
    %dma_wait3A_695 = arith.constant 0 : i32
    %dma_wait3A_696 = tpu.memref_slice %arg4[%add3A, %dma_wait3A_689, %dma_wait3A_695] : memref<32x38x2048xf32, #tpu.memory_space<hbm>> -> memref<1x1x2048xf32, #tpu.memory_space<hbm>>
    %dma_wait3A_697 = tpu.memref_squeeze %dma_wait3A_696 : memref<1x1x2048xf32, #tpu.memory_space<hbm>> -> memref<2048xf32, #tpu.memory_space<hbm>>
    %dma_wait3A_698 = arith.constant 43008 : i32
    %dma_wait3A_699 = tpu.memref_slice %arg5[%dma_wait3A_698] : memref<77824xf32, #tpu.memory_space<vmem>> -> memref<2048xf32, #tpu.memory_space<vmem>>
    tpu.wait_dma2 semaphore(%arg8 : memref<!tpu.dma_semaphore, #tpu.memory_space<semaphore_mem>>) src(%dma_wait3A_699 : memref<2048xf32, #tpu.memory_space<vmem>>) dst(%dma_wait3A_697 : memref<2048xf32, #tpu.memory_space<hbm>>)
    %dma_wait3A_700 = arith.constant 22 : i32
    %dma_wait3A_701 = arith.constant 45056 : i32
    %dma_wait3A_702 = tpu.memref_slice %arg5[%dma_wait3A_701] : memref<77824xf32, #tpu.memory_space<vmem>> -> memref<2048xf32, #tpu.memory_space<vmem>>
    %dma_wait3A_703 = arith.constant 0 : i32
    %dma_wait3A_704 = tpu.memref_slice %arg4[%add3A, %dma_wait3A_700, %dma_wait3A_703] : memref<32x38x2048xf32, #tpu.memory_space<hbm>> -> memref<1x1x2048xf32, #tpu.memory_space<hbm>>
    %dma_wait3A_705 = tpu.memref_squeeze %dma_wait3A_704 : memref<1x1x2048xf32, #tpu.memory_space<hbm>> -> memref<2048xf32, #tpu.memory_space<hbm>>
    %dma_wait3A_706 = arith.constant 0 : i32
    %dma_wait3A_707 = tpu.memref_slice %arg4[%add3A, %dma_wait3A_700, %dma_wait3A_706] : memref<32x38x2048xf32, #tpu.memory_space<hbm>> -> memref<1x1x2048xf32, #tpu.memory_space<hbm>>
    %dma_wait3A_708 = tpu.memref_squeeze %dma_wait3A_707 : memref<1x1x2048xf32, #tpu.memory_space<hbm>> -> memref<2048xf32, #tpu.memory_space<hbm>>
    %dma_wait3A_709 = arith.constant 45056 : i32
    %dma_wait3A_710 = tpu.memref_slice %arg5[%dma_wait3A_709] : memref<77824xf32, #tpu.memory_space<vmem>> -> memref<2048xf32, #tpu.memory_space<vmem>>
    tpu.wait_dma2 semaphore(%arg8 : memref<!tpu.dma_semaphore, #tpu.memory_space<semaphore_mem>>) src(%dma_wait3A_710 : memref<2048xf32, #tpu.memory_space<vmem>>) dst(%dma_wait3A_708 : memref<2048xf32, #tpu.memory_space<hbm>>)
    %dma_wait3A_711 = arith.constant 23 : i32
    %dma_wait3A_712 = arith.constant 47104 : i32
    %dma_wait3A_713 = tpu.memref_slice %arg5[%dma_wait3A_712] : memref<77824xf32, #tpu.memory_space<vmem>> -> memref<2048xf32, #tpu.memory_space<vmem>>
    %dma_wait3A_714 = arith.constant 0 : i32
    %dma_wait3A_715 = tpu.memref_slice %arg4[%add3A, %dma_wait3A_711, %dma_wait3A_714] : memref<32x38x2048xf32, #tpu.memory_space<hbm>> -> memref<1x1x2048xf32, #tpu.memory_space<hbm>>
    %dma_wait3A_716 = tpu.memref_squeeze %dma_wait3A_715 : memref<1x1x2048xf32, #tpu.memory_space<hbm>> -> memref<2048xf32, #tpu.memory_space<hbm>>
    %dma_wait3A_717 = arith.constant 0 : i32
    %dma_wait3A_718 = tpu.memref_slice %arg4[%add3A, %dma_wait3A_711, %dma_wait3A_717] : memref<32x38x2048xf32, #tpu.memory_space<hbm>> -> memref<1x1x2048xf32, #tpu.memory_space<hbm>>
    %dma_wait3A_719 = tpu.memref_squeeze %dma_wait3A_718 : memref<1x1x2048xf32, #tpu.memory_space<hbm>> -> memref<2048xf32, #tpu.memory_space<hbm>>
    %dma_wait3A_720 = arith.constant 47104 : i32
    %dma_wait3A_721 = tpu.memref_slice %arg5[%dma_wait3A_720] : memref<77824xf32, #tpu.memory_space<vmem>> -> memref<2048xf32, #tpu.memory_space<vmem>>
    tpu.wait_dma2 semaphore(%arg8 : memref<!tpu.dma_semaphore, #tpu.memory_space<semaphore_mem>>) src(%dma_wait3A_721 : memref<2048xf32, #tpu.memory_space<vmem>>) dst(%dma_wait3A_719 : memref<2048xf32, #tpu.memory_space<hbm>>)
    %dma_wait3A_722 = arith.constant 24 : i32
    %dma_wait3A_723 = arith.constant 49152 : i32
    %dma_wait3A_724 = tpu.memref_slice %arg5[%dma_wait3A_723] : memref<77824xf32, #tpu.memory_space<vmem>> -> memref<2048xf32, #tpu.memory_space<vmem>>
    %dma_wait3A_725 = arith.constant 0 : i32
    %dma_wait3A_726 = tpu.memref_slice %arg4[%add3A, %dma_wait3A_722, %dma_wait3A_725] : memref<32x38x2048xf32, #tpu.memory_space<hbm>> -> memref<1x1x2048xf32, #tpu.memory_space<hbm>>
    %dma_wait3A_727 = tpu.memref_squeeze %dma_wait3A_726 : memref<1x1x2048xf32, #tpu.memory_space<hbm>> -> memref<2048xf32, #tpu.memory_space<hbm>>
    %dma_wait3A_728 = arith.constant 0 : i32
    %dma_wait3A_729 = tpu.memref_slice %arg4[%add3A, %dma_wait3A_722, %dma_wait3A_728] : memref<32x38x2048xf32, #tpu.memory_space<hbm>> -> memref<1x1x2048xf32, #tpu.memory_space<hbm>>
    %dma_wait3A_730 = tpu.memref_squeeze %dma_wait3A_729 : memref<1x1x2048xf32, #tpu.memory_space<hbm>> -> memref<2048xf32, #tpu.memory_space<hbm>>
    %dma_wait3A_731 = arith.constant 49152 : i32
    %dma_wait3A_732 = tpu.memref_slice %arg5[%dma_wait3A_731] : memref<77824xf32, #tpu.memory_space<vmem>> -> memref<2048xf32, #tpu.memory_space<vmem>>
    tpu.wait_dma2 semaphore(%arg8 : memref<!tpu.dma_semaphore, #tpu.memory_space<semaphore_mem>>) src(%dma_wait3A_732 : memref<2048xf32, #tpu.memory_space<vmem>>) dst(%dma_wait3A_730 : memref<2048xf32, #tpu.memory_space<hbm>>)
    %dma_wait3A_733 = arith.constant 25 : i32
    %dma_wait3A_734 = arith.constant 51200 : i32
    %dma_wait3A_735 = tpu.memref_slice %arg5[%dma_wait3A_734] : memref<77824xf32, #tpu.memory_space<vmem>> -> memref<2048xf32, #tpu.memory_space<vmem>>
    %dma_wait3A_736 = arith.constant 0 : i32
    %dma_wait3A_737 = tpu.memref_slice %arg4[%add3A, %dma_wait3A_733, %dma_wait3A_736] : memref<32x38x2048xf32, #tpu.memory_space<hbm>> -> memref<1x1x2048xf32, #tpu.memory_space<hbm>>
    %dma_wait3A_738 = tpu.memref_squeeze %dma_wait3A_737 : memref<1x1x2048xf32, #tpu.memory_space<hbm>> -> memref<2048xf32, #tpu.memory_space<hbm>>
    %dma_wait3A_739 = arith.constant 0 : i32
    %dma_wait3A_740 = tpu.memref_slice %arg4[%add3A, %dma_wait3A_733, %dma_wait3A_739] : memref<32x38x2048xf32, #tpu.memory_space<hbm>> -> memref<1x1x2048xf32, #tpu.memory_space<hbm>>
    %dma_wait3A_741 = tpu.memref_squeeze %dma_wait3A_740 : memref<1x1x2048xf32, #tpu.memory_space<hbm>> -> memref<2048xf32, #tpu.memory_space<hbm>>
    %dma_wait3A_742 = arith.constant 51200 : i32
    %dma_wait3A_743 = tpu.memref_slice %arg5[%dma_wait3A_742] : memref<77824xf32, #tpu.memory_space<vmem>> -> memref<2048xf32, #tpu.memory_space<vmem>>
    tpu.wait_dma2 semaphore(%arg8 : memref<!tpu.dma_semaphore, #tpu.memory_space<semaphore_mem>>) src(%dma_wait3A_743 : memref<2048xf32, #tpu.memory_space<vmem>>) dst(%dma_wait3A_741 : memref<2048xf32, #tpu.memory_space<hbm>>)
    %dma_wait3A_744 = arith.constant 26 : i32
    %dma_wait3A_745 = arith.constant 53248 : i32
    %dma_wait3A_746 = tpu.memref_slice %arg5[%dma_wait3A_745] : memref<77824xf32, #tpu.memory_space<vmem>> -> memref<2048xf32, #tpu.memory_space<vmem>>
    %dma_wait3A_747 = arith.constant 0 : i32
    %dma_wait3A_748 = tpu.memref_slice %arg4[%add3A, %dma_wait3A_744, %dma_wait3A_747] : memref<32x38x2048xf32, #tpu.memory_space<hbm>> -> memref<1x1x2048xf32, #tpu.memory_space<hbm>>
    %dma_wait3A_749 = tpu.memref_squeeze %dma_wait3A_748 : memref<1x1x2048xf32, #tpu.memory_space<hbm>> -> memref<2048xf32, #tpu.memory_space<hbm>>
    %dma_wait3A_750 = arith.constant 0 : i32
    %dma_wait3A_751 = tpu.memref_slice %arg4[%add3A, %dma_wait3A_744, %dma_wait3A_750] : memref<32x38x2048xf32, #tpu.memory_space<hbm>> -> memref<1x1x2048xf32, #tpu.memory_space<hbm>>
    %dma_wait3A_752 = tpu.memref_squeeze %dma_wait3A_751 : memref<1x1x2048xf32, #tpu.memory_space<hbm>> -> memref<2048xf32, #tpu.memory_space<hbm>>
    %dma_wait3A_753 = arith.constant 53248 : i32
    %dma_wait3A_754 = tpu.memref_slice %arg5[%dma_wait3A_753] : memref<77824xf32, #tpu.memory_space<vmem>> -> memref<2048xf32, #tpu.memory_space<vmem>>
    tpu.wait_dma2 semaphore(%arg8 : memref<!tpu.dma_semaphore, #tpu.memory_space<semaphore_mem>>) src(%dma_wait3A_754 : memref<2048xf32, #tpu.memory_space<vmem>>) dst(%dma_wait3A_752 : memref<2048xf32, #tpu.memory_space<hbm>>)
    %dma_wait3A_755 = arith.constant 27 : i32
    %dma_wait3A_756 = arith.constant 55296 : i32
    %dma_wait3A_757 = tpu.memref_slice %arg5[%dma_wait3A_756] : memref<77824xf32, #tpu.memory_space<vmem>> -> memref<2048xf32, #tpu.memory_space<vmem>>
    %dma_wait3A_758 = arith.constant 0 : i32
    %dma_wait3A_759 = tpu.memref_slice %arg4[%add3A, %dma_wait3A_755, %dma_wait3A_758] : memref<32x38x2048xf32, #tpu.memory_space<hbm>> -> memref<1x1x2048xf32, #tpu.memory_space<hbm>>
    %dma_wait3A_760 = tpu.memref_squeeze %dma_wait3A_759 : memref<1x1x2048xf32, #tpu.memory_space<hbm>> -> memref<2048xf32, #tpu.memory_space<hbm>>
    %dma_wait3A_761 = arith.constant 0 : i32
    %dma_wait3A_762 = tpu.memref_slice %arg4[%add3A, %dma_wait3A_755, %dma_wait3A_761] : memref<32x38x2048xf32, #tpu.memory_space<hbm>> -> memref<1x1x2048xf32, #tpu.memory_space<hbm>>
    %dma_wait3A_763 = tpu.memref_squeeze %dma_wait3A_762 : memref<1x1x2048xf32, #tpu.memory_space<hbm>> -> memref<2048xf32, #tpu.memory_space<hbm>>
    %dma_wait3A_764 = arith.constant 55296 : i32
    %dma_wait3A_765 = tpu.memref_slice %arg5[%dma_wait3A_764] : memref<77824xf32, #tpu.memory_space<vmem>> -> memref<2048xf32, #tpu.memory_space<vmem>>
    tpu.wait_dma2 semaphore(%arg8 : memref<!tpu.dma_semaphore, #tpu.memory_space<semaphore_mem>>) src(%dma_wait3A_765 : memref<2048xf32, #tpu.memory_space<vmem>>) dst(%dma_wait3A_763 : memref<2048xf32, #tpu.memory_space<hbm>>)
    %dma_wait3A_766 = arith.constant 28 : i32
    %dma_wait3A_767 = arith.constant 57344 : i32
    %dma_wait3A_768 = tpu.memref_slice %arg5[%dma_wait3A_767] : memref<77824xf32, #tpu.memory_space<vmem>> -> memref<2048xf32, #tpu.memory_space<vmem>>
    %dma_wait3A_769 = arith.constant 0 : i32
    %dma_wait3A_770 = tpu.memref_slice %arg4[%add3A, %dma_wait3A_766, %dma_wait3A_769] : memref<32x38x2048xf32, #tpu.memory_space<hbm>> -> memref<1x1x2048xf32, #tpu.memory_space<hbm>>
    %dma_wait3A_771 = tpu.memref_squeeze %dma_wait3A_770 : memref<1x1x2048xf32, #tpu.memory_space<hbm>> -> memref<2048xf32, #tpu.memory_space<hbm>>
    %dma_wait3A_772 = arith.constant 0 : i32
    %dma_wait3A_773 = tpu.memref_slice %arg4[%add3A, %dma_wait3A_766, %dma_wait3A_772] : memref<32x38x2048xf32, #tpu.memory_space<hbm>> -> memref<1x1x2048xf32, #tpu.memory_space<hbm>>
    %dma_wait3A_774 = tpu.memref_squeeze %dma_wait3A_773 : memref<1x1x2048xf32, #tpu.memory_space<hbm>> -> memref<2048xf32, #tpu.memory_space<hbm>>
    %dma_wait3A_775 = arith.constant 57344 : i32
    %dma_wait3A_776 = tpu.memref_slice %arg5[%dma_wait3A_775] : memref<77824xf32, #tpu.memory_space<vmem>> -> memref<2048xf32, #tpu.memory_space<vmem>>
    tpu.wait_dma2 semaphore(%arg8 : memref<!tpu.dma_semaphore, #tpu.memory_space<semaphore_mem>>) src(%dma_wait3A_776 : memref<2048xf32, #tpu.memory_space<vmem>>) dst(%dma_wait3A_774 : memref<2048xf32, #tpu.memory_space<hbm>>)
    %dma_wait3A_777 = arith.constant 29 : i32
    %dma_wait3A_778 = arith.constant 59392 : i32
    %dma_wait3A_779 = tpu.memref_slice %arg5[%dma_wait3A_778] : memref<77824xf32, #tpu.memory_space<vmem>> -> memref<2048xf32, #tpu.memory_space<vmem>>
    %dma_wait3A_780 = arith.constant 0 : i32
    %dma_wait3A_781 = tpu.memref_slice %arg4[%add3A, %dma_wait3A_777, %dma_wait3A_780] : memref<32x38x2048xf32, #tpu.memory_space<hbm>> -> memref<1x1x2048xf32, #tpu.memory_space<hbm>>
    %dma_wait3A_782 = tpu.memref_squeeze %dma_wait3A_781 : memref<1x1x2048xf32, #tpu.memory_space<hbm>> -> memref<2048xf32, #tpu.memory_space<hbm>>
    %dma_wait3A_783 = arith.constant 0 : i32
    %dma_wait3A_784 = tpu.memref_slice %arg4[%add3A, %dma_wait3A_777, %dma_wait3A_783] : memref<32x38x2048xf32, #tpu.memory_space<hbm>> -> memref<1x1x2048xf32, #tpu.memory_space<hbm>>
    %dma_wait3A_785 = tpu.memref_squeeze %dma_wait3A_784 : memref<1x1x2048xf32, #tpu.memory_space<hbm>> -> memref<2048xf32, #tpu.memory_space<hbm>>
    %dma_wait3A_786 = arith.constant 59392 : i32
    %dma_wait3A_787 = tpu.memref_slice %arg5[%dma_wait3A_786] : memref<77824xf32, #tpu.memory_space<vmem>> -> memref<2048xf32, #tpu.memory_space<vmem>>
    tpu.wait_dma2 semaphore(%arg8 : memref<!tpu.dma_semaphore, #tpu.memory_space<semaphore_mem>>) src(%dma_wait3A_787 : memref<2048xf32, #tpu.memory_space<vmem>>) dst(%dma_wait3A_785 : memref<2048xf32, #tpu.memory_space<hbm>>)
    %dma_wait3A_788 = arith.constant 30 : i32
    %dma_wait3A_789 = arith.constant 61440 : i32
    %dma_wait3A_790 = tpu.memref_slice %arg5[%dma_wait3A_789] : memref<77824xf32, #tpu.memory_space<vmem>> -> memref<2048xf32, #tpu.memory_space<vmem>>
    %dma_wait3A_791 = arith.constant 0 : i32
    %dma_wait3A_792 = tpu.memref_slice %arg4[%add3A, %dma_wait3A_788, %dma_wait3A_791] : memref<32x38x2048xf32, #tpu.memory_space<hbm>> -> memref<1x1x2048xf32, #tpu.memory_space<hbm>>
    %dma_wait3A_793 = tpu.memref_squeeze %dma_wait3A_792 : memref<1x1x2048xf32, #tpu.memory_space<hbm>> -> memref<2048xf32, #tpu.memory_space<hbm>>
    %dma_wait3A_794 = arith.constant 0 : i32
    %dma_wait3A_795 = tpu.memref_slice %arg4[%add3A, %dma_wait3A_788, %dma_wait3A_794] : memref<32x38x2048xf32, #tpu.memory_space<hbm>> -> memref<1x1x2048xf32, #tpu.memory_space<hbm>>
    %dma_wait3A_796 = tpu.memref_squeeze %dma_wait3A_795 : memref<1x1x2048xf32, #tpu.memory_space<hbm>> -> memref<2048xf32, #tpu.memory_space<hbm>>
    %dma_wait3A_797 = arith.constant 61440 : i32
    %dma_wait3A_798 = tpu.memref_slice %arg5[%dma_wait3A_797] : memref<77824xf32, #tpu.memory_space<vmem>> -> memref<2048xf32, #tpu.memory_space<vmem>>
    tpu.wait_dma2 semaphore(%arg8 : memref<!tpu.dma_semaphore, #tpu.memory_space<semaphore_mem>>) src(%dma_wait3A_798 : memref<2048xf32, #tpu.memory_space<vmem>>) dst(%dma_wait3A_796 : memref<2048xf32, #tpu.memory_space<hbm>>)
    %dma_wait3A_799 = arith.constant 31 : i32
    %dma_wait3A_800 = arith.constant 63488 : i32
    %dma_wait3A_801 = tpu.memref_slice %arg5[%dma_wait3A_800] : memref<77824xf32, #tpu.memory_space<vmem>> -> memref<2048xf32, #tpu.memory_space<vmem>>
    %dma_wait3A_802 = arith.constant 0 : i32
    %dma_wait3A_803 = tpu.memref_slice %arg4[%add3A, %dma_wait3A_799, %dma_wait3A_802] : memref<32x38x2048xf32, #tpu.memory_space<hbm>> -> memref<1x1x2048xf32, #tpu.memory_space<hbm>>
    %dma_wait3A_804 = tpu.memref_squeeze %dma_wait3A_803 : memref<1x1x2048xf32, #tpu.memory_space<hbm>> -> memref<2048xf32, #tpu.memory_space<hbm>>
    %dma_wait3A_805 = arith.constant 0 : i32
    %dma_wait3A_806 = tpu.memref_slice %arg4[%add3A, %dma_wait3A_799, %dma_wait3A_805] : memref<32x38x2048xf32, #tpu.memory_space<hbm>> -> memref<1x1x2048xf32, #tpu.memory_space<hbm>>
    %dma_wait3A_807 = tpu.memref_squeeze %dma_wait3A_806 : memref<1x1x2048xf32, #tpu.memory_space<hbm>> -> memref<2048xf32, #tpu.memory_space<hbm>>
    %dma_wait3A_808 = arith.constant 63488 : i32
    %dma_wait3A_809 = tpu.memref_slice %arg5[%dma_wait3A_808] : memref<77824xf32, #tpu.memory_space<vmem>> -> memref<2048xf32, #tpu.memory_space<vmem>>
    tpu.wait_dma2 semaphore(%arg8 : memref<!tpu.dma_semaphore, #tpu.memory_space<semaphore_mem>>) src(%dma_wait3A_809 : memref<2048xf32, #tpu.memory_space<vmem>>) dst(%dma_wait3A_807 : memref<2048xf32, #tpu.memory_space<hbm>>)
    %dma_wait3A_810 = arith.constant 32 : i32
    %dma_wait3A_811 = arith.constant 65536 : i32
    %dma_wait3A_812 = tpu.memref_slice %arg5[%dma_wait3A_811] : memref<77824xf32, #tpu.memory_space<vmem>> -> memref<2048xf32, #tpu.memory_space<vmem>>
    %dma_wait3A_813 = arith.constant 0 : i32
    %dma_wait3A_814 = tpu.memref_slice %arg4[%add3A, %dma_wait3A_810, %dma_wait3A_813] : memref<32x38x2048xf32, #tpu.memory_space<hbm>> -> memref<1x1x2048xf32, #tpu.memory_space<hbm>>
    %dma_wait3A_815 = tpu.memref_squeeze %dma_wait3A_814 : memref<1x1x2048xf32, #tpu.memory_space<hbm>> -> memref<2048xf32, #tpu.memory_space<hbm>>
    %dma_wait3A_816 = arith.constant 0 : i32
    %dma_wait3A_817 = tpu.memref_slice %arg4[%add3A, %dma_wait3A_810, %dma_wait3A_816] : memref<32x38x2048xf32, #tpu.memory_space<hbm>> -> memref<1x1x2048xf32, #tpu.memory_space<hbm>>
    %dma_wait3A_818 = tpu.memref_squeeze %dma_wait3A_817 : memref<1x1x2048xf32, #tpu.memory_space<hbm>> -> memref<2048xf32, #tpu.memory_space<hbm>>
    %dma_wait3A_819 = arith.constant 65536 : i32
    %dma_wait3A_820 = tpu.memref_slice %arg5[%dma_wait3A_819] : memref<77824xf32, #tpu.memory_space<vmem>> -> memref<2048xf32, #tpu.memory_space<vmem>>
    tpu.wait_dma2 semaphore(%arg8 : memref<!tpu.dma_semaphore, #tpu.memory_space<semaphore_mem>>) src(%dma_wait3A_820 : memref<2048xf32, #tpu.memory_space<vmem>>) dst(%dma_wait3A_818 : memref<2048xf32, #tpu.memory_space<hbm>>)
    %dma_wait3A_821 = arith.constant 33 : i32
    %dma_wait3A_822 = arith.constant 67584 : i32
    %dma_wait3A_823 = tpu.memref_slice %arg5[%dma_wait3A_822] : memref<77824xf32, #tpu.memory_space<vmem>> -> memref<2048xf32, #tpu.memory_space<vmem>>
    %dma_wait3A_824 = arith.constant 0 : i32
    %dma_wait3A_825 = tpu.memref_slice %arg4[%add3A, %dma_wait3A_821, %dma_wait3A_824] : memref<32x38x2048xf32, #tpu.memory_space<hbm>> -> memref<1x1x2048xf32, #tpu.memory_space<hbm>>
    %dma_wait3A_826 = tpu.memref_squeeze %dma_wait3A_825 : memref<1x1x2048xf32, #tpu.memory_space<hbm>> -> memref<2048xf32, #tpu.memory_space<hbm>>
    %dma_wait3A_827 = arith.constant 0 : i32
    %dma_wait3A_828 = tpu.memref_slice %arg4[%add3A, %dma_wait3A_821, %dma_wait3A_827] : memref<32x38x2048xf32, #tpu.memory_space<hbm>> -> memref<1x1x2048xf32, #tpu.memory_space<hbm>>
    %dma_wait3A_829 = tpu.memref_squeeze %dma_wait3A_828 : memref<1x1x2048xf32, #tpu.memory_space<hbm>> -> memref<2048xf32, #tpu.memory_space<hbm>>
    %dma_wait3A_830 = arith.constant 67584 : i32
    %dma_wait3A_831 = tpu.memref_slice %arg5[%dma_wait3A_830] : memref<77824xf32, #tpu.memory_space<vmem>> -> memref<2048xf32, #tpu.memory_space<vmem>>
    tpu.wait_dma2 semaphore(%arg8 : memref<!tpu.dma_semaphore, #tpu.memory_space<semaphore_mem>>) src(%dma_wait3A_831 : memref<2048xf32, #tpu.memory_space<vmem>>) dst(%dma_wait3A_829 : memref<2048xf32, #tpu.memory_space<hbm>>)
    %dma_wait3A_832 = arith.constant 34 : i32
    %dma_wait3A_833 = arith.constant 69632 : i32
    %dma_wait3A_834 = tpu.memref_slice %arg5[%dma_wait3A_833] : memref<77824xf32, #tpu.memory_space<vmem>> -> memref<2048xf32, #tpu.memory_space<vmem>>
    %dma_wait3A_835 = arith.constant 0 : i32
    %dma_wait3A_836 = tpu.memref_slice %arg4[%add3A, %dma_wait3A_832, %dma_wait3A_835] : memref<32x38x2048xf32, #tpu.memory_space<hbm>> -> memref<1x1x2048xf32, #tpu.memory_space<hbm>>
    %dma_wait3A_837 = tpu.memref_squeeze %dma_wait3A_836 : memref<1x1x2048xf32, #tpu.memory_space<hbm>> -> memref<2048xf32, #tpu.memory_space<hbm>>
    %dma_wait3A_838 = arith.constant 0 : i32
    %dma_wait3A_839 = tpu.memref_slice %arg4[%add3A, %dma_wait3A_832, %dma_wait3A_838] : memref<32x38x2048xf32, #tpu.memory_space<hbm>> -> memref<1x1x2048xf32, #tpu.memory_space<hbm>>
    %dma_wait3A_840 = tpu.memref_squeeze %dma_wait3A_839 : memref<1x1x2048xf32, #tpu.memory_space<hbm>> -> memref<2048xf32, #tpu.memory_space<hbm>>
    %dma_wait3A_841 = arith.constant 69632 : i32
    %dma_wait3A_842 = tpu.memref_slice %arg5[%dma_wait3A_841] : memref<77824xf32, #tpu.memory_space<vmem>> -> memref<2048xf32, #tpu.memory_space<vmem>>
    tpu.wait_dma2 semaphore(%arg8 : memref<!tpu.dma_semaphore, #tpu.memory_space<semaphore_mem>>) src(%dma_wait3A_842 : memref<2048xf32, #tpu.memory_space<vmem>>) dst(%dma_wait3A_840 : memref<2048xf32, #tpu.memory_space<hbm>>)
    %dma_wait3A_843 = arith.constant 35 : i32
    %dma_wait3A_844 = arith.constant 71680 : i32
    %dma_wait3A_845 = tpu.memref_slice %arg5[%dma_wait3A_844] : memref<77824xf32, #tpu.memory_space<vmem>> -> memref<2048xf32, #tpu.memory_space<vmem>>
    %dma_wait3A_846 = arith.constant 0 : i32
    %dma_wait3A_847 = tpu.memref_slice %arg4[%add3A, %dma_wait3A_843, %dma_wait3A_846] : memref<32x38x2048xf32, #tpu.memory_space<hbm>> -> memref<1x1x2048xf32, #tpu.memory_space<hbm>>
    %dma_wait3A_848 = tpu.memref_squeeze %dma_wait3A_847 : memref<1x1x2048xf32, #tpu.memory_space<hbm>> -> memref<2048xf32, #tpu.memory_space<hbm>>
    %dma_wait3A_849 = arith.constant 0 : i32
    %dma_wait3A_850 = tpu.memref_slice %arg4[%add3A, %dma_wait3A_843, %dma_wait3A_849] : memref<32x38x2048xf32, #tpu.memory_space<hbm>> -> memref<1x1x2048xf32, #tpu.memory_space<hbm>>
    %dma_wait3A_851 = tpu.memref_squeeze %dma_wait3A_850 : memref<1x1x2048xf32, #tpu.memory_space<hbm>> -> memref<2048xf32, #tpu.memory_space<hbm>>
    %dma_wait3A_852 = arith.constant 71680 : i32
    %dma_wait3A_853 = tpu.memref_slice %arg5[%dma_wait3A_852] : memref<77824xf32, #tpu.memory_space<vmem>> -> memref<2048xf32, #tpu.memory_space<vmem>>
    tpu.wait_dma2 semaphore(%arg8 : memref<!tpu.dma_semaphore, #tpu.memory_space<semaphore_mem>>) src(%dma_wait3A_853 : memref<2048xf32, #tpu.memory_space<vmem>>) dst(%dma_wait3A_851 : memref<2048xf32, #tpu.memory_space<hbm>>)
    %dma_wait3A_854 = arith.constant 36 : i32
    %dma_wait3A_855 = arith.constant 73728 : i32
    %dma_wait3A_856 = tpu.memref_slice %arg5[%dma_wait3A_855] : memref<77824xf32, #tpu.memory_space<vmem>> -> memref<2048xf32, #tpu.memory_space<vmem>>
    %dma_wait3A_857 = arith.constant 0 : i32
    %dma_wait3A_858 = tpu.memref_slice %arg4[%add3A, %dma_wait3A_854, %dma_wait3A_857] : memref<32x38x2048xf32, #tpu.memory_space<hbm>> -> memref<1x1x2048xf32, #tpu.memory_space<hbm>>
    %dma_wait3A_859 = tpu.memref_squeeze %dma_wait3A_858 : memref<1x1x2048xf32, #tpu.memory_space<hbm>> -> memref<2048xf32, #tpu.memory_space<hbm>>
    %dma_wait3A_860 = arith.constant 0 : i32
    %dma_wait3A_861 = tpu.memref_slice %arg4[%add3A, %dma_wait3A_854, %dma_wait3A_860] : memref<32x38x2048xf32, #tpu.memory_space<hbm>> -> memref<1x1x2048xf32, #tpu.memory_space<hbm>>
    %dma_wait3A_862 = tpu.memref_squeeze %dma_wait3A_861 : memref<1x1x2048xf32, #tpu.memory_space<hbm>> -> memref<2048xf32, #tpu.memory_space<hbm>>
    %dma_wait3A_863 = arith.constant 73728 : i32
    %dma_wait3A_864 = tpu.memref_slice %arg5[%dma_wait3A_863] : memref<77824xf32, #tpu.memory_space<vmem>> -> memref<2048xf32, #tpu.memory_space<vmem>>
    tpu.wait_dma2 semaphore(%arg8 : memref<!tpu.dma_semaphore, #tpu.memory_space<semaphore_mem>>) src(%dma_wait3A_864 : memref<2048xf32, #tpu.memory_space<vmem>>) dst(%dma_wait3A_862 : memref<2048xf32, #tpu.memory_space<hbm>>)
    %dma_wait3A_865 = arith.constant 37 : i32
    %dma_wait3A_866 = arith.constant 75776 : i32
    %dma_wait3A_867 = tpu.memref_slice %arg5[%dma_wait3A_866] : memref<77824xf32, #tpu.memory_space<vmem>> -> memref<2048xf32, #tpu.memory_space<vmem>>
    %dma_wait3A_868 = arith.constant 0 : i32
    %dma_wait3A_869 = tpu.memref_slice %arg4[%add3A, %dma_wait3A_865, %dma_wait3A_868] : memref<32x38x2048xf32, #tpu.memory_space<hbm>> -> memref<1x1x2048xf32, #tpu.memory_space<hbm>>
    %dma_wait3A_870 = tpu.memref_squeeze %dma_wait3A_869 : memref<1x1x2048xf32, #tpu.memory_space<hbm>> -> memref<2048xf32, #tpu.memory_space<hbm>>
    %dma_wait3A_871 = arith.constant 0 : i32
    %dma_wait3A_872 = tpu.memref_slice %arg4[%add3A, %dma_wait3A_865, %dma_wait3A_871] : memref<32x38x2048xf32, #tpu.memory_space<hbm>> -> memref<1x1x2048xf32, #tpu.memory_space<hbm>>
    %dma_wait3A_873 = tpu.memref_squeeze %dma_wait3A_872 : memref<1x1x2048xf32, #tpu.memory_space<hbm>> -> memref<2048xf32, #tpu.memory_space<hbm>>
    %dma_wait3A_874 = arith.constant 75776 : i32
    %dma_wait3A_875 = tpu.memref_slice %arg5[%dma_wait3A_874] : memref<77824xf32, #tpu.memory_space<vmem>> -> memref<2048xf32, #tpu.memory_space<vmem>>
    tpu.wait_dma2 semaphore(%arg8 : memref<!tpu.dma_semaphore, #tpu.memory_space<semaphore_mem>>) src(%dma_wait3A_875 : memref<2048xf32, #tpu.memory_space<vmem>>) dst(%dma_wait3A_873 : memref<2048xf32, #tpu.memory_space<hbm>>)
    return
  }
}

module attributes {stable_mosaic.version = 14 : i64} {
  func.func @body(%arg0: memref<32x38x2048xf32, #tpu.memory_space<vmem>>, %arg1: memref<1x1xf32, #tpu.memory_space<vmem>>) attributes {dimension_semantics = [], scalar_prefetch = 0 : i64, scratch_operands = 0 : i64, tpu.core_type = #tpu.core_type<tc>} {
    %get3A = arith.constant 0 : index
    %get3A_0 = arith.constant 0 : index
    %get3A_1 = arith.constant 0 : index
    %get3A_2 = vector.load %arg0[%get3A, %get3A_0, %get3A_1] : memref<32x38x2048xf32, #tpu.memory_space<vmem>>, vector<32x38x2048xf32>
    %reduce_sum3A = arith.constant dense<0.000000e+00> : vector<38x2048xf32>
    %reduce_sum3A_3 = vector.multi_reduction <add>, %get3A_2, %reduce_sum3A [0] : vector<32x38x2048xf32> to vector<38x2048xf32>
    %slice3A = vector.extract_strided_slice %reduce_sum3A_3 {offsets = [0, 0], sizes = [19, 2048], strides = [1, 1]} : vector<38x2048xf32> to vector<19x2048xf32>
    %slice3A_4 = vector.extract_strided_slice %reduce_sum3A_3 {offsets = [19, 0], sizes = [19, 2048], strides = [1, 1]} : vector<38x2048xf32> to vector<19x2048xf32>
    %iota3A = tpu.iota {dimensions = array<i32: 0>} : vector<2048x2048xi32>
    %iota3A_5 = tpu.iota {dimensions = array<i32: 1>} : vector<2048x2048xi32>
    %le3A = arith.cmpi sle, %iota3A, %iota3A_5 : vector<2048x2048xi32>
    %convert_element_type3A = arith.extui %le3A : vector<2048x2048xi1> to vector<2048x2048xi32>
    %convert_element_type3A_6 = arith.sitofp %convert_element_type3A : vector<2048x2048xi32> to vector<2048x2048xf32>
    %add3A = arith.addi %iota3A, %iota3A_5 : vector<2048x2048xi32>
    %ge3A = arith.constant 2047 : i32
    %ge3A_7 = vector.broadcast %ge3A : i32 to vector<2048x2048xi32>
    %ge3A_8 = arith.cmpi sge, %add3A, %ge3A_7 : vector<2048x2048xi32>
    %convert_element_type3A_9 = arith.extui %ge3A_8 : vector<2048x2048xi1> to vector<2048x2048xi32>
    %convert_element_type3A_10 = arith.sitofp %convert_element_type3A_9 : vector<2048x2048xi32> to vector<2048x2048xf32>
    %dot_general3A = arith.constant dense<0.000000e+00> : vector<19x2048xf32>
    %dot_general3A_11 = tpu.matmul %slice3A, %convert_element_type3A_6, %dot_general3A {dimension_numbers = #tpu.dot_dimension_numbers<[1], [0], [0], [1], [0, 0, 1, 1], [], []>, precision = #tpu.contract_precision<fp32>, transpose_lhs_hint = false} : vector<19x2048xf32>, vector<2048x2048xf32>, vector<19x2048xf32> -> vector<19x2048xf32>
    %dot_general3A_12 = arith.constant dense<0.000000e+00> : vector<19x2048xf32>
    %dot_general3A_13 = tpu.matmul %slice3A_4, %convert_element_type3A_10, %dot_general3A_12 {dimension_numbers = #tpu.dot_dimension_numbers<[1], [0], [0], [1], [0, 0, 1, 1], [], []>, precision = #tpu.contract_precision<fp32>, transpose_lhs_hint = false} : vector<19x2048xf32>, vector<2048x2048xf32>, vector<19x2048xf32> -> vector<19x2048xf32>
    %broadcast_in_dim3A = arith.constant 0.000000e+00 : f32
    %broadcast_in_dim3A_14 = vector.broadcast %broadcast_in_dim3A : f32 to vector<19x1xf32>
    %slice3A_15 = vector.extract_strided_slice %dot_general3A_13 {offsets = [0, 0], sizes = [19, 2047], strides = [1, 1]} : vector<19x2048xf32> to vector<19x2047xf32>
    %concatenate3A = tpu.concatenate %broadcast_in_dim3A_14, %slice3A_15 in 1 : vector<19x1xf32>, vector<19x2047xf32> -> vector<19x2048xf32>
    %sub3A = arith.subf %dot_general3A_13, %concatenate3A : vector<19x2048xf32>
    %reduce_sum3A_16 = arith.constant dense<0.000000e+00> : vector<19xf32>
    %reduce_sum3A_17 = vector.multi_reduction <add>, %slice3A, %reduce_sum3A_16 [1] : vector<19x2048xf32> to vector<19xf32>
    %broadcast_in_dim3A_18 = vector.shape_cast %reduce_sum3A_17 : vector<19xf32> to vector<19x1xf32>
    %reduce_sum3A_19 = arith.constant dense<0.000000e+00> : vector<19xf32>
    %reduce_sum3A_20 = vector.multi_reduction <add>, %slice3A_4, %reduce_sum3A_19 [1] : vector<19x2048xf32> to vector<19xf32>
    %broadcast_in_dim3A_21 = vector.shape_cast %reduce_sum3A_20 : vector<19xf32> to vector<19x1xf32>
    %sub3A_22 = vector.broadcast %broadcast_in_dim3A_18 : vector<19x1xf32> to vector<19x2048xf32>
    %sub3A_23 = arith.subf %sub3A_22, %dot_general3A_11 : vector<19x2048xf32>
    %sub3A_24 = vector.broadcast %broadcast_in_dim3A_21 : vector<19x1xf32> to vector<19x2048xf32>
    %sub3A_25 = arith.subf %sub3A_24, %dot_general3A_13 : vector<19x2048xf32>
    %add3A_26 = arith.addf %sub3A_23, %sub3A_25 : vector<19x2048xf32>
    %add3A_27 = vector.broadcast %broadcast_in_dim3A_21 : vector<19x1xf32> to vector<19x2048xf32>
    %add3A_28 = arith.addf %add3A_27, %sub3A_23 : vector<19x2048xf32>
    %max3A = arith.constant 1.000000e+00 : f32
    %max3A_29 = vector.broadcast %max3A : f32 to vector<19x2048xf32>
    %max3A_30 = arith.maximumf %add3A_28, %max3A_29 : vector<19x2048xf32>
    %div3A = arith.divf %add3A_26, %max3A_30 : vector<19x2048xf32>
    %add3A_31 = arith.addf %add3A_28, %slice3A : vector<19x2048xf32>
    %add3A_32 = arith.addf %add3A_26, %slice3A : vector<19x2048xf32>
    %max3A_33 = arith.constant 1.000000e+00 : f32
    %max3A_34 = vector.broadcast %max3A_33 : f32 to vector<19x2048xf32>
    %max3A_35 = arith.maximumf %add3A_31, %max3A_34 : vector<19x2048xf32>
    %div3A_36 = arith.divf %add3A_32, %max3A_35 : vector<19x2048xf32>
    %iota3A_37 = tpu.iota {dimensions = array<i32: 1>} : vector<19x2048xi32>
    %convert_element_type3A_38 = arith.sitofp %iota3A_37 : vector<19x2048xi32> to vector<19x2048xf32>
    %add3A_39 = arith.constant 5.000000e-01 : f32
    %add3A_40 = vector.broadcast %add3A_39 : f32 to vector<19x2048xf32>
    %add3A_41 = arith.addf %convert_element_type3A_38, %add3A_40 : vector<19x2048xf32>
    %mul3A = arith.constant 4.8828125E-4 : f32
    %mul3A_42 = vector.broadcast %mul3A : f32 to vector<19x2048xf32>
    %mul3A_43 = arith.mulf %add3A_41, %mul3A_42 : vector<19x2048xf32>
    %sub3A_44 = arith.subf %div3A_36, %div3A : vector<19x2048xf32>
    %max3A_45 = arith.constant 1.000000e+00 : f32
    %max3A_46 = vector.broadcast %max3A_45 : f32 to vector<19x2048xf32>
    %max3A_47 = arith.maximumf %add3A_31, %max3A_46 : vector<19x2048xf32>
    %div3A_48 = arith.divf %sub3A, %max3A_47 : vector<19x2048xf32>
    %add3A_49 = arith.addf %sub3A_44, %div3A_48 : vector<19x2048xf32>
    %mul3A_50 = arith.mulf %mul3A_43, %add3A_49 : vector<19x2048xf32>
    %reduce_sum3A_51 = arith.constant dense<0.000000e+00> : vector<19xf32>
    %reduce_sum3A_52 = vector.multi_reduction <add>, %mul3A_50, %reduce_sum3A_51 [1] : vector<19x2048xf32> to vector<19xf32>
    %broadcast_in_dim3A_53 = vector.shape_cast %reduce_sum3A_52 : vector<19xf32> to vector<19x1xf32>
    %gt3A = arith.constant 0.000000e+00 : f32
    %gt3A_54 = vector.broadcast %gt3A : f32 to vector<19x1xf32>
    %gt3A_55 = arith.cmpf ogt, %broadcast_in_dim3A_21, %gt3A_54 : vector<19x1xf32>
    %convert_element_type3A_56 = arith.extui %gt3A_55 : vector<19x1xi1> to vector<19x1xi32>
    %convert_element_type3A_57 = arith.sitofp %convert_element_type3A_56 : vector<19x1xi32> to vector<19x1xf32>
    %reduce_sum3A_58 = arith.constant dense<0.000000e+00> : vector<1xf32>
    %reduce_sum3A_59 = vector.multi_reduction <add>, %convert_element_type3A_57, %reduce_sum3A_58 [0] : vector<19x1xf32> to vector<1xf32>
    %broadcast_in_dim3A_60 = vector.shape_cast %reduce_sum3A_59 : vector<1xf32> to vector<1x1xf32>
    %max3A_61 = arith.constant 1.000000e+00 : f32
    %max3A_62 = vector.broadcast %max3A_61 : f32 to vector<1x1xf32>
    %max3A_63 = arith.maximumf %broadcast_in_dim3A_60, %max3A_62 : vector<1x1xf32>
    %mul3A_64 = arith.mulf %broadcast_in_dim3A_53, %convert_element_type3A_57 : vector<19x1xf32>
    %reduce_sum3A_65 = arith.constant dense<0.000000e+00> : vector<1xf32>
    %reduce_sum3A_66 = vector.multi_reduction <add>, %mul3A_64, %reduce_sum3A_65 [0] : vector<19x1xf32> to vector<1xf32>
    %broadcast_in_dim3A_67 = vector.shape_cast %reduce_sum3A_66 : vector<1xf32> to vector<1x1xf32>
    %div3A_68 = arith.divf %broadcast_in_dim3A_67, %max3A_63 : vector<1x1xf32>
    %swap3A = arith.constant 0 : index
    %swap3A_69 = arith.constant 0 : index
    %swap3A_70 = vector.load %arg1[%swap3A, %swap3A_69] : memref<1x1xf32, #tpu.memory_space<vmem>>, vector<1x1xf32>
    tpu.vector_store %arg1[%swap3A, %swap3A_69], %div3A_68 {strides = array<i32>} : memref<1x1xf32, #tpu.memory_space<vmem>>, vector<1x1xf32>,
    return
  }
}

</mosaic_0001>

<sc_bundles>
// kernel: kernel.4.cloned.1.call-start
scs
__scs_entry_jumppad:
0x0: {  	(pc) =	sbr.rel $0x88, $3  }
0x1: {  	(tag) =	ssettag $0x0;
	lr =	simm.s32 $0x1  }
0x2: {  	[smem:$0x3F9F] =	sst lr;
	_ =	strace $0xD0000000  }
0x3: {  	_ = 	snop  }
0x4: {  	_ = 	snop  }
0x5: {  	_ = 	snop  }
0x6: {  	_ = 	snop  }
0x7: {  	_ = 	snop  }
__scs_overlays_trampoline_lowered:
0x8: {  	[smem:$0x3FAE] =	sst s0  }
0x9: {  	[smem:$0x3FAF] =	sst s1  }
0xa: {  	[smem:$0x3FB0] =	sst s2  }
0xb: {  	[smem:$0x3FB1] =	sst s3  }
0xc: {  	[smem:$0x3FB2] =	sst s4  }
0xd: {  	[smem:$0x3FB3] =	sst s5  }
0xe: {  	[smem:$0x3FB4] =	sst s6  }
0xf: {  	[smem:$0x3FB5] =	sst s7  }
0x10: {  	[smem:$0x3FB6] =	sst s8  }
0x11: {  	[smem:$0x3FB7] =	sst s9;
	s0 =	simm.s32 @!p0 $0x0  }
0x12: {  	s1 =	sld [smem:$0x3F9D];
	s0 =	simm.s32 @p0 $0x1  }
0x13: {  	[smem:$0x3FB8] =	sst s0;
	s0 =	simm.s32 @!p1 $0x0  }
0x14: {  	s2 =	sld [smem:$0x3F9C];
	s0 =	simm.s32 @p1 $0x1  }
0x15: {  	[smem:$0x3FB9] =	sst s0;
	s0 =	simm.s32 @!p2 $0x0  }
0x16: {  	s3 =	sld [smem:$0x3FDB];
	s0 =	simm.s32 @p2 $0x1  }
0x17: {  	s4 =	simm.s32 $0x1BF5;
	[smem:$0x3FBB] =	sst s0  }
0x18: {  	s0 =	sld [smem:$0x3F9E];
	_ =	swait.ge [sflag:s4], $0x0  }
0x19: {  	s7 =	sld [smem:$0x3F9F]  }
0x1a: {  	s8 =	sadd.s32 $0xFFFFE003, lr  }
0x1b: {  	s9 =	sadd.s32 $0xFFFFFEF7, lr;
	s5 =	simm.s32 $0xFFFFFFFF;
	p2 =	slt.u32 s8, $0xFFFFF086  }
0x1c: {  	p1 =	slt.u32 s9, $0xF7A;
	s5 =	simm.s32 @!p2 $0x0  }
0x1d: {  	s5 =	simm.s32 @p1 $0x1;
	p0 =	seq.s32 s7, s2  }
0x1e: {  	s7 =	smul.u32 @!p0 $0xF7A, s2;
	p2 =	seq.s32 @!p0 s5, $0x0  }
0x1f: {  	s9 =	smul.u32 $0xF7A, s1;
	s8 =	simm.s32 @!p0 $0x1BF5;
	p2 =	por !p2, p0  }
0x20: {  	[sflag:s8] =	ssyncset.s32 @!p0 $0xFFFFF086;
	s6 =	sadd.s32 @!p0 s3, s7;
	s7 =	simm.s32 @!p0 $0x108  }
0x21: {  	s3 =	sadd.s32 s3, s9;
	s6 =	sadd.s32 @!p0 $0x88, s6;
	s7 =	simm.s32 @p2 $0x1082  }
0x22: {  	[simem:s7], [sflag:s8] =	dma.local @!p0 [hbm:s6], $0xF7A  }
0x23: {  	s9 =	sor.u32 $0xD0000000, s2;
	s6 =	simm.s32 $0x108;
	_ =	swait.ge @!p0 [sflag:s8], $0x0  }
0x24: {  	s3 =	sadd.s32 $0x88, s3;
	s6 =	simm.s32 @!p1 $0x1082;
	[sflag:s4] =	ssyncset.s32 $0xFFFFF086  }
0x25: {  	[simem:s6], [sflag:s4] =	dma.local [hbm:s3], $0xF7A  }
0x26: {  	[smem:$0x3F9F] =	sst s1;
	(tag) =	ssettag s2;
	_ =	strace s9  }
0x27: {  	s1 =	sld [smem:$0x3FAF]  }
0x28: {  	s2 =	sld [smem:$0x3FB0]  }
0x29: {  	s4 =	sld [smem:$0x3FB2]  }
0x2a: {  	p0 =	seq.s32 s5, $0x0;
	s5 =	sld [smem:$0x3FB3]  }
0x2b: {  	s6 =	sld [smem:$0x3FB4]  }
0x2c: {  	s7 =	sld [smem:$0x3FB5]  }
0x2d: {  	s3 =	simm.s32 $0x108;
	s8 =	sld [smem:$0x3FB6]  }
0x2e: {  	s3 =	simm.s32 @!p0 $0x1082;
	s9 =	sld [smem:$0x3FB7]  }
0x2f: {  	lr =	sadd.s32 s0, s3;
	s0 =	sld [smem:$0x3FAE]  }
0x30: {  	s3 =	sld [smem:$0x3FB1]  }
0x31: {  	[smem:$0x3FBA] =	sst s10  }
0x32: {  	s10 =	sld [smem:$0x3FB8];
	_ =	sdelay $0x3  }
0x33: {  	p0 =	seq.s32 s10, $0x1;
	s10 =	sld [smem:$0x3FBA];
	_ =	sdelay $0x3  }
0x34: {  	[smem:$0x3FBA] =	sst s10  }
0x35: {  	s10 =	sld [smem:$0x3FB9];
	_ =	sdelay $0x3  }
0x36: {  	p1 =	seq.s32 s10, $0x1;
	s10 =	sld [smem:$0x3FBA];
	_ =	sdelay $0x3  }
0x37: {  	[smem:$0x3FBA] =	sst s10  }
0x38: {  	s10 =	sld [smem:$0x3FBB]  }
0x39: {  	_ = 	snop;
	(pc) =	sbr.ind lr, $3  }
0x3a: {  	_ = 	snop  }
0x3b: {  	_ = 	snop  }
0x3c: {  	p2 =	seq.s32 s10, $0x1;
	s10 =	sld [smem:$0x3FBA]  }
0x3d: {  	_ =	shalt  }
0x3e: {  	_ =	shalt  }
0x3f: {  	_ =	shalt  }
0x40: {  	_ =	shalt  }
0x41: {  	_ =	shalt  }
0x42: {  	_ =	shalt  }
0x43: {  	_ =	shalt  }
0x44: {  	_ =	shalt  }
0x45: {  	_ =	shalt  }
0x46: {  	_ =	shalt  }
0x47: {  	_ =	shalt  }
0x48: {  	_ =	shalt  }
0x49: {  	_ =	shalt  }
0x4a: {  	_ =	shalt  }
0x4b: {  	_ =	shalt  }
0x4c: {  	_ =	shalt  }
0x4d: {  	_ =	shalt  }
0x4e: {  	_ =	shalt  }
0x4f: {  	_ =	shalt  }
0x50: {  	_ =	shalt  }
0x51: {  	_ =	shalt  }
0x52: {  	_ =	shalt  }
0x53: {  	_ =	shalt  }
0x54: {  	_ =	shalt  }
0x55: {  	_ =	shalt  }
0x56: {  	_ =	shalt  }
0x57: {  	_ =	shalt  }
0x58: {  	_ =	shalt  }
0x59: {  	_ =	shalt  }
0x5a: {  	_ =	shalt  }
0x5b: {  	_ =	shalt  }
0x5c: {  	_ =	shalt  }
0x5d: {  	_ =	shalt  }
0x5e: {  	_ =	shalt  }
0x5f: {  	_ =	shalt  }
0x60: {  	_ =	shalt  }
0x61: {  	_ =	shalt  }
0x62: {  	_ =	shalt  }
0x63: {  	_ =	shalt  }
0x64: {  	_ =	shalt  }
0x65: {  	_ =	shalt  }
0x66: {  	_ =	shalt  }
0x67: {  	_ =	shalt  }
0x68: {  	_ =	shalt  }
0x69: {  	_ =	shalt  }
0x6a: {  	_ =	shalt  }
0x6b: {  	_ =	shalt  }
0x6c: {  	_ =	shalt  }
0x6d: {  	_ =	shalt  }
0x6e: {  	_ =	shalt  }
0x6f: {  	_ =	shalt  }
0x70: {  	_ =	shalt  }
0x71: {  	_ =	shalt  }
0x72: {  	_ =	shalt  }
0x73: {  	_ =	shalt  }
0x74: {  	_ =	shalt  }
0x75: {  	_ =	shalt  }
0x76: {  	_ =	shalt  }
0x77: {  	_ =	shalt  }
0x78: {  	_ =	shalt  }
0x79: {  	_ =	shalt  }
0x7a: {  	_ =	shalt  }
0x7b: {  	_ =	shalt  }
0x7c: {  	_ =	shalt  }
0x7d: {  	_ =	shalt  }
0x7e: {  	_ =	shalt  }
0x7f: {  	_ =	shalt  }
0x80: {  	_ =	shalt  }
0x81: {  	_ =	shalt  }
0x82: {  	_ =	shalt  }
0x83: {  	_ =	shalt  }
0x84: {  	_ =	shalt  }
0x85: {  	_ =	shalt  }
0x86: {  	_ =	shalt  }
0x87: {  	_ =	shalt  }
.Lfunc_end0:
.L_simem_size_0:
called_computation_lowered:
.L_overlay_start_0:
0x88: {  	s2 =	sld [smem:$0x3FD9]  }
0x89: {  	s3 =	sld [smem:$0x3FFE];
	_ =	sdelay $0x1  }
0x8a: {  	s1 =	srdreg.scid  }
0x8b: {  	s0 =	sand.u32 $0x1, s1  }
0x8c: {  	s16 =	sshll.u32 s0, $0xA;
	s2 =	sadd.s32 s3, s2  }
0x8d: {  	s2 =	sadd.s32 s2, s16  }
0x8e: {  	[smem:$0x3FC6] =	sst s2  }
0x8f: {  	_ = 	snop  }
0x90: {  	(tm) =	ssettm $0x1  }
0x91: {  	s17 =	sld [smem:$0x3FFB];
	_ =	sdelay $0x3  }
0x92: {  	_ =	strace s17  }
0x93: {  	s2 =	sld [smem:$0x3FFC];
	_ =	sdelay $0x3  }
0x94: {  	_ =	strace s2  }
0x95: {  	s2 =	sld [smem:$0x3FFD];
	_ =	sdelay $0x3  }
0x96: {  	_ =	strace s2  }
0x97: {  	_ =	strace $0x8FFFFFFF  }
0x98: {  	s18 =	sld [smem:$0x3FDB];
	_ =	sdelay $0x1  }
0x99: {  	s19 =	simm.s32 $_scs_section_size  }
0x9a: {  	s4 =	simm.s32 $_size__tile_overlayer_lowered;
	s5 =	simm.s32 $_tile_overlayer_lowered  }
0x9b: {  	s22 =	simm.s32 $0x1BFF;
	s21 =	sshll.u32 s5, $0x1;
	s2 =	sadd.s32 s19, s18  }
0x9c: {  	s6 =	simm.s32 $0x0;
	s20 =	sshll.u32 s4, $0x1;
	s4 =	sadd.s32 s21, s2  }
0x9d: {  	[timem:s6], [sflag:s22] =	dma.local [hbm:s4], s20  }
0x9e: {  	_ =	swait.ge [sflag:s22], s20  }
0x9f: {  	s3 =	ssub.s32 $0x0, s20;
	[sflag:s22] =	ssyncset.done $0x0  }
0xa0: {  	[sflag:s22] =	ssyncadd.s32 s3;
	_ =	sdelay $0x1  }
0xa1: {  	s23 =	simm.s32 $0x1B8B  }
0xa2: {  	_ =	swait.ge [sflag:s23], $0x1  }
0xa3: {  	[sflag:s23] =	ssyncset.done $0x0  }
0xa4: {  	s25 =	simm.s32 $0x1B8E;
	s24 =	sld [smem:$0x3FFE];
	[sflag:s23] =	ssyncadd.s32 $0xFFFFFFFF  }
0xa5: {  	s26 =	simm.s32 $execute0_lowered;
	[smem:$0x3FD2] =	sst s25  }
0xa6: {  	s4 =	sshll.u32 s26, $0x1;
	_ =	strace $0x80000046;
	[dreg:$0x1] =	wrdreg $0xFFFFFFFF  }
0xa7: {  	s28 =	simm.s32 $_size_execute0_lowered;
	s2 =	sadd.s32 s2, s4;
	[dreg:$0x0] =	wrdreg $0x0  }
0xa8: {  	s4 =	sshll.u32 s28, $0x1;
	[dreg:$0x2] =	wrdreg s2  }
0xa9: {  	[dreg:$0x3] =	wrdreg s4  }
0xaa: {  	[dreg:$0x4] =	wrdreg $0xC0  }
0xab: {  	_ =	task [dreg:s6], $0x5FFFF  }
0xac: {  	[dreg:$0x1] =	wrdreg $0xFFFFFFFF  }
0xad: {  	[dreg:$0x0] =	wrdreg $0x60  }
0xae: {  	[dreg:$0x2] =	wrdreg s24  }
0xaf: {  	[dreg:$0x3] =	wrdreg $0x9  }
0xb0: {  	_ =	task.clear_ibuf [dreg:s6], $0x4FFFF;
	_ =	strace $0x90000046  }
0xb1: {  	s29 =	simm.s32 $0x9;
	_ =	strace $0x80000048  }
0xb2: {  	_ =	swait.ge [sflag:s29], $0x1  }
0xb3: {  	[sflag:s29] =	ssyncadd.s32 $0xFFFFFFFF  }
0xb4: {  	_ =	strace $0x90000048  }
0xb5: {  	_ =	sfence  }
0xb6: {  	s30 =	sld [smem:$0x0];
	_ =	sdelay $0x2  }
0xb7: {  	s31 =	sshll.u32 s1, $0xD;
	s1 =	sshrl.u32 s1, $0x2  }
0xb8: {  	s3 =	sand.u32 $0x4000, s31;
	s1 =	sadd.s32 s1, s30  }
0xb9: {  	s0 =	sor.u32 s3, s0;
	s1 =	sshll.u32 s1, $0x11  }
0xba: {  	s0 =	sor.u32 s1, s0  }
0xbb: {  	s0 =	sadd.s32 $0x8F2B, s0  }
0xbc: {  	[sflag:s0] =	ssyncadd.remote.s32 $0x1  }
0xbd: {  	_ =	sfence.sel $0xFFFF  }
0xbe: {  	[dreg:$0x0] =	wrdreg $0xFFFFFFFF;
	(pc) =	sbr.abs _section_cstart, $3  }
0xbf: {  	[dreg:$0x1] =	wrdreg $0xFFFFFFFF  }
0xc0: {  	_ =	task.clear_ibuf [dreg:s6], $0x2FFFF;
	_ =	strace $0x9FFFFFFF  }
0xc1: {  	(tm) =	ssettm $0x7FFFFFFF  }
tec
execute0_lowered:
.L_overlay_start_1:
0x0: {  	(tag) =	ssettag $0x1  }
0x1: {  	s0 =	srdreg.scid;
	s3 =	stileid.u32  }
0x2: {  	s2 =	sand.u32 $0x1, s0;
	s22 =	sshll.u32 s3, $0x1  }
0x3: {  	s0 =	sor.u32 s2, s22  }
0x4: {  	s1 =	sand.u32 $0x7, s0;
	s0 =	smul.u32 $0x14000, s0  }
0x5: {  	s4 =	rddreg [dreg:$0x0];
	s7 =	simm.s32 $0x0  }
0x6: {  	s5 =	sshrl.u32 s3, $0x2;
	[smem:$0x7FF] =	sst s7;
	s0 =	sshrl.u32 s0, $0x3  }
0x7: {  	s3 =	sadd.s32 $0x12600, s4;
	_ =	strace $0x80000047;
	s13 =	sadd.s32 s0, s4  }
0x8: {  	s6 =	sshll.u32 s5, $0x7;
	s9 =	smul.u32 $0x360000, s5;
	s25 =	sadd.s32 $0x1C2600, s13  }
0x9: {  	s23 =	smul.u32 $0x12000, s1;
	s26 =	sadd.s32 $0x1C2610, s13;
	[dreg:$0x3] =	wrdreg s25  }
0xa: {  	s10 =	smul.u32 $0x24000, s1;
	s1 =	sadd.s32 $0x1C2620, s13;
	[dreg:$0x4] =	wrdreg s26  }
0xb: {  	s6 =	sor.u32 s6, s23;
	s5 =	sadd.s32 $0x1C2640, s13;
	[dreg:$0x5] =	wrdreg s1  }
0xc: {  	s9 =	sadd.s32 s9, s10;
	s7 =	sadd.s32 $0x1C2660, s13;
	[dreg:$0x7] =	wrdreg s5  }
0xd: {  	s6 =	sshrl.u32 s6, $0x3;
	s8 =	sadd.s32 $0x1C2670, s13;
	[dreg:$0x9] =	wrdreg s7  }
0xe: {  	s11 =	sadd.s32 $0x1C2E00, s13;
	s12 =	sadd.s32 $0x1C2E10, s13;
	[dreg:$0xa] =	wrdreg s8  }
0xf: {  	s14 =	sadd.s32 $0x1C2E20, s13;
	s15 =	sadd.s32 $0x1C2E30, s13;
	[dreg:$0xb] =	wrdreg s11  }
0x10: {  	s16 =	sadd.s32 $0x1C2E40, s13;
	s17 =	sadd.s32 $0x1C2E50, s13;
	[dreg:$0xc] =	wrdreg s12  }
0x11: {  	s18 =	sadd.s32 $0x1C2E60, s13;
	s19 =	sadd.s32 $0x1C2E70, s13;
	[dreg:$0xd] =	wrdreg s14  }
0x12: {  	s20 =	sadd.s32 $0x1C3600, s13;
	s21 =	sadd.s32 $0x1C3610, s13;
	[dreg:$0xe] =	wrdreg s15  }
0x13: {  	s22 =	sadd.s32 $0x1C3620, s13;
	s23 =	sadd.s32 $0x1C3630, s13;
	[dreg:$0xf] =	wrdreg s16  }
0x14: {  	s28 =	sadd.s32 $0x1C3660, s13;
	s29 =	sadd.s32 $0x1C3670, s13;
	[dreg:$0x10] =	wrdreg s17  }
0x15: {  	s30 =	sadd.s32 $0x1C3E00, s13;
	s31 =	sadd.s32 $0x1C3E10, s13;
	[dreg:$0x11] =	wrdreg s18  }
0x16: {  	s0 =	sadd.s32 $0x1C3E30, s13;
	s10 =	sadd.s32 $0x1C4620, s13;
	[dreg:$0x12] =	wrdreg s19  }
0x17: {  	s6 =	sadd.s32 s6, s4;
	s4 =	sadd.s32 $0x1C2630, s13;
	[dreg:$0x13] =	wrdreg s20  }
0x18: {  	[dreg:$0x14] =	wrdreg s21;
	s25 =	sadd.s32 $0x1C3640, s13;
	s26 =	sadd.s32 $0x1C3650, s13  }
0x19: {  	[dreg:$0x15] =	wrdreg s22;
	s1 =	sadd.s32 $0x1C3E20, s13;
	s5 =	sadd.s32 $0x1C3E60, s13  }
0x1a: {  	[dreg:$0x16] =	wrdreg s23;
	s7 =	sadd.s32 $0x1C4600, s13;
	s11 =	sadd.s32 $0x1C4630, s13  }
0x1b: {  	s12 =	sadd.s32 $0x1C4640, s13;
	s15 =	simm.s32 $0x80;
	s16 =	simm.s32 $0x2  }
0x1c: {  	s17 =	simm.s32 $0x400;
	s18 =	simm.s32 $0x17800;
	s19 =	simm.s32 $0x1  }
0x1d: {  	s20 =	simm.s32 $0x0;
	s24 =	sadd.s32 $0x600, s6;
	[dreg:$0x6] =	wrdreg s4  }
0x1e: {  	s6 =	sadd.s32 $0x1C2650, s13;
	[dreg:$0x2] =	wrdreg s24;
	s24 =	ssub.s32 $0x2, s2  }
0x1f: {  	s4 =	sadd.s32 $0x1C3E50, s13;
	[dreg:$0x8] =	wrdreg s6;
	s8 =	sshrl.u32 s24, $0x1  }
0x20: {  	s2 =	sadd.s32 $0x1C3E40, s13;
	s6 =	sadd.s32 $0x1C3E70, s13;
	s14 =	ssub.s32 s24, s8  }
0x21: {  	s8 =	sadd.s32 $0x1C4610, s13;
	s13 =	sadd.s32 $0x1C4650, s13;
	s14 =	smax.u32 s14, $0x1  }
.LBB2_1:
0x22: {  	s21 =	simm.s32 $0x0;
	s22 =	rddreg [dreg:$0x2]  }
0x23: {  	s23 =	simm.s32 $0x200;
	s24 =	simm.s32 $0x13000;
	s21 =	smul.u32 $0x120000, s21  }
0x24: {  	[tilespmem:s24], [sflag:$0x2] =	stream.strided.gather [hbm4b:s22+s15], $0x4800, s23, s15, $0x38;
	[tilespmem:$0x1C000] =	vst v63  }
0x25: {  	s24 =	simm.s32 $0x0  }
0x26: {  	s22 =	sand.u32 $0x380, s24;
	s21 =	sadd.s32 s21, s9  }
0x27: {  	s23 =	simm.s32 $0x0;
	_ =	swait.ge [sflag:s16], $0x4800;
	s21 =	sor.u32 s22, s21  }
0x28: {  	s24 =	simm.s32 $0x80;
	[sflag:s16] =	ssyncset.done $0x0;
	s21 =	sshrl.u32 s21, $0x3  }
0x29: {  	[sflag:s16] =	ssyncadd.s32 $0xFFFFB800;
	s22 =	smul.u32 $0x120000, s23;
	s21 =	sadd.s32 s3, s21  }
0x2a: {  	[tilespmem:s18], [sflag:$0x2] =	stream.strided.gather [hbm4b:s21+s15], $0x4800, s17, s15, $0x38;
	[tilespmem:$0x1C000] =	vst v63  }
0x2b: {  	s23 =	sand.u32 $0x380, s24;
	s22 =	sadd.s32 s22, s9;
	s21 =	simm.s32 $0x2  }
0x2c: {  	s23 =	sor.u32 s23, s22;
	s22 =	simm.s32 $0x100;
	_ =	swait.ge [sflag:s16], $0x4800  }
.LBB2_2:
0x2d: {  	s24 =	sshrl.u32 s21, $0x3;
	s23 =	sshrl.u32 s23, $0x3  }
0x2e: {  	[sflag:s16] =	ssyncset.done $0x0;
	p0 =	sne.s32 s21, $0x12;
	s24 =	smul.u32 $0x120000, s24  }
.Ltmp0:
0x2f: {  	s23 =	sadd.s32 s3, s23;
	[sflag:s16] =	ssyncadd.s32 $0xFFFFB800;
	(pc) =	sbr.rel @p0 .LBB2_2-.Ltmp0, $4  }
0x30: {  	[tilespmem:s18], [sflag:$0x2] =	stream.strided.gather [hbm4b:s23+s15], $0x4800, s17, s15, $0x38;
	[tilespmem:$0x1C000] =	vst v63  }
0x31: {  	s23 =	sand.u32 $0x380, s22  }
0x32: {  	s21 =	sadd.s32 $0x1, s21;
	s24 =	sadd.s32 s24, s9  }
0x33: {  	s22 =	sadd.s32 $0x80, s22;
	s23 =	sor.u32 s23, s24;
	_ =	swait.ge [sflag:s16], $0x4800  }
0x34: {  	s21 =	sshrl.u32 s23, $0x3;
	[sflag:s16] =	ssyncset.done $0x0  }
0x35: {  	s21 =	sadd.s32 s3, s21;
	[sflag:s16] =	ssyncadd.s32 $0xFFFFB800  }
0x36: {  	[tilespmem:s18], [sflag:$0x2] =	stream.strided.gather [hbm4b:s21+s15], $0x4800, s17, s15, $0x38;
	[tilespmem:$0x1C000] =	vst v63  }
0x37: {  	_ =	swait.ge [sflag:s16], $0x4800  }
0x38: {  	[sflag:s16] =	ssyncset.done $0x0  }
0x39: {  	s24 =	simm.s32 $0x0;
	s22 =	rddreg [dreg:$0x3];
	[sflag:s16] =	ssyncadd.s32 $0xFFFFB800  }
0x3a: {  	[hbm4b:s22+s15] =	stream.strided.scatter [tilespmem:s24], [sflag:$0x1], $0x800, s17, s15, $0x38;
	[tilespmem:$0x1C000] =	vst v63  }
0x3b: {  	s23 =	rddreg [dreg:$0x4];
	s24 =	simm.s32 $0x800  }
0x3c: {  	[hbm4b:s23+s15] =	stream.strided.scatter [tilespmem:s24], [sflag:$0x1], $0x800, s17, s15, $0x38;
	[tilespmem:$0x1C000] =	vst v63  }
0x3d: {  	s23 =	rddreg [dreg:$0x5];
	s24 =	simm.s32 $0x1000  }
0x3e: {  	[hbm4b:s23+s15] =	stream.strided.scatter [tilespmem:s24], [sflag:$0x1], $0x800, s17, s15, $0x38;
	[tilespmem:$0x1C000] =	vst v63  }
0x3f: {  	s23 =	rddreg [dreg:$0x6];
	s24 =	simm.s32 $0x1800  }
0x40: {  	[hbm4b:s23+s15] =	stream.strided.scatter [tilespmem:s24], [sflag:$0x1], $0x800, s17, s15, $0x38;
	[tilespmem:$0x1C000] =	vst v63  }
0x41: {  	s23 =	rddreg [dreg:$0x7];
	s24 =	simm.s32 $0x2000  }
0x42: {  	[hbm4b:s23+s15] =	stream.strided.scatter [tilespmem:s24], [sflag:$0x1], $0x800, s17, s15, $0x38;
	[tilespmem:$0x1C000] =	vst v63  }
0x43: {  	s23 =	rddreg [dreg:$0x8];
	s24 =	simm.s32 $0x2800  }
0x44: {  	[hbm4b:s23+s15] =	stream.strided.scatter [tilespmem:s24], [sflag:$0x1], $0x800, s17, s15, $0x38;
	[tilespmem:$0x1C000] =	vst v63  }
0x45: {  	s23 =	rddreg [dreg:$0x9];
	s24 =	simm.s32 $0x3000  }
0x46: {  	[hbm4b:s23+s15] =	stream.strided.scatter [tilespmem:s24], [sflag:$0x1], $0x800, s17, s15, $0x38;
	[tilespmem:$0x1C000] =	vst v63  }
0x47: {  	s23 =	rddreg [dreg:$0xa];
	s24 =	simm.s32 $0x3800  }
0x48: {  	[hbm4b:s23+s15] =	stream.strided.scatter [tilespmem:s24], [sflag:$0x1], $0x800, s17, s15, $0x38;
	[tilespmem:$0x1C000] =	vst v63  }
0x49: {  	s23 =	rddreg [dreg:$0xb];
	s24 =	simm.s32 $0x4000  }
0x4a: {  	[hbm4b:s23+s15] =	stream.strided.scatter [tilespmem:s24], [sflag:$0x1], $0x800, s17, s15, $0x38;
	[tilespmem:$0x1C000] =	vst v63  }
0x4b: {  	s23 =	rddreg [dreg:$0xc];
	s24 =	simm.s32 $0x4800  }
0x4c: {  	[hbm4b:s23+s15] =	stream.strided.scatter [tilespmem:s24], [sflag:$0x1], $0x800, s17, s15, $0x38;
	[tilespmem:$0x1C000] =	vst v63  }
0x4d: {  	s23 =	rddreg [dreg:$0xd];
	s24 =	simm.s32 $0x5000  }
0x4e: {  	[hbm4b:s23+s15] =	stream.strided.scatter [tilespmem:s24], [sflag:$0x1], $0x800, s17, s15, $0x38;
	[tilespmem:$0x1C000] =	vst v63  }
0x4f: {  	s23 =	rddreg [dreg:$0xe];
	s24 =	simm.s32 $0x5800  }
0x50: {  	[hbm4b:s23+s15] =	stream.strided.scatter [tilespmem:s24], [sflag:$0x1], $0x800, s17, s15, $0x38;
	[tilespmem:$0x1C000] =	vst v63  }
0x51: {  	s23 =	rddreg [dreg:$0xf];
	s24 =	simm.s32 $0x6000  }
0x52: {  	[hbm4b:s23+s15] =	stream.strided.scatter [tilespmem:s24], [sflag:$0x1], $0x800, s17, s15, $0x38;
	[tilespmem:$0x1C000] =	vst v63  }
0x53: {  	s23 =	rddreg [dreg:$0x10];
	s24 =	simm.s32 $0x6800  }
0x54: {  	[hbm4b:s23+s15] =	stream.strided.scatter [tilespmem:s24], [sflag:$0x1], $0x800, s17, s15, $0x38;
	[tilespmem:$0x1C000] =	vst v63  }
0x55: {  	s23 =	rddreg [dreg:$0x11];
	s24 =	simm.s32 $0x7000  }
0x56: {  	[hbm4b:s23+s15] =	stream.strided.scatter [tilespmem:s24], [sflag:$0x1], $0x800, s17, s15, $0x38;
	[tilespmem:$0x1C000] =	vst v63  }
0x57: {  	s23 =	rddreg [dreg:$0x12];
	s24 =	simm.s32 $0x7800  }
0x58: {  	[hbm4b:s23+s15] =	stream.strided.scatter [tilespmem:s24], [sflag:$0x1], $0x800, s17, s15, $0x38;
	[tilespmem:$0x1C000] =	vst v63  }
0x59: {  	s23 =	rddreg [dreg:$0x13];
	s24 =	simm.s32 $0x8000  }
0x5a: {  	[hbm4b:s23+s15] =	stream.strided.scatter [tilespmem:s24], [sflag:$0x1], $0x800, s17, s15, $0x38;
	[tilespmem:$0x1C000] =	vst v63  }
0x5b: {  	s23 =	rddreg [dreg:$0x14];
	s24 =	simm.s32 $0x8800  }
0x5c: {  	[hbm4b:s23+s15] =	stream.strided.scatter [tilespmem:s24], [sflag:$0x1], $0x800, s17, s15, $0x38;
	[tilespmem:$0x1C000] =	vst v63  }
0x5d: {  	s23 =	rddreg [dreg:$0x15];
	s24 =	simm.s32 $0x9000  }
0x5e: {  	[hbm4b:s23+s15] =	stream.strided.scatter [tilespmem:s24], [sflag:$0x1], $0x800, s17, s15, $0x38;
	[tilespmem:$0x1C000] =	vst v63  }
0x5f: {  	s23 =	rddreg [dreg:$0x16];
	s24 =	simm.s32 $0x9800  }
0x60: {  	[hbm4b:s23+s15] =	stream.strided.scatter [tilespmem:s24], [sflag:$0x1], $0x800, s17, s15, $0x38;
	[tilespmem:$0x1C000] =	vst v63  }
0x61: {  	s22 =	simm.s32 $0xA000  }
0x62: {  	[hbm4b:s25+s15] =	stream.strided.scatter [tilespmem:s22], [sflag:$0x1], $0x800, s17, s15, $0x38;
	[tilespmem:$0x1C000] =	vst v63  }
0x63: {  	s23 =	simm.s32 $0xA800  }
0x64: {  	[hbm4b:s26+s15] =	stream.strided.scatter [tilespmem:s23], [sflag:$0x1], $0x800, s17, s15, $0x38;
	[tilespmem:$0x1C000] =	vst v63  }
0x65: {  	s24 =	simm.s32 $0xB000  }
0x66: {  	[hbm4b:s28+s15] =	stream.strided.scatter [tilespmem:s24], [sflag:$0x1], $0x800, s17, s15, $0x38;
	[tilespmem:$0x1C000] =	vst v63  }
0x67: {  	s22 =	simm.s32 $0xB800  }
0x68: {  	[hbm4b:s29+s15] =	stream.strided.scatter [tilespmem:s22], [sflag:$0x1], $0x800, s17, s15, $0x38;
	[tilespmem:$0x1C000] =	vst v63  }
0x69: {  	s23 =	simm.s32 $0xC000  }
0x6a: {  	[hbm4b:s30+s15] =	stream.strided.scatter [tilespmem:s23], [sflag:$0x1], $0x800, s17, s15, $0x38;
	[tilespmem:$0x1C000] =	vst v63  }
0x6b: {  	s24 =	simm.s32 $0xC800  }
0x6c: {  	[hbm4b:s31+s15] =	stream.strided.scatter [tilespmem:s24], [sflag:$0x1], $0x800, s17, s15, $0x38;
	[tilespmem:$0x1C000] =	vst v63  }
0x6d: {  	s22 =	simm.s32 $0xD000  }
0x6e: {  	[hbm4b:s1+s15] =	stream.strided.scatter [tilespmem:s22], [sflag:$0x1], $0x800, s17, s15, $0x38;
	[tilespmem:$0x1C000] =	vst v63  }
0x6f: {  	s23 =	simm.s32 $0xD800  }
0x70: {  	[hbm4b:s0+s15] =	stream.strided.scatter [tilespmem:s23], [sflag:$0x1], $0x800, s17, s15, $0x38;
	[tilespmem:$0x1C000] =	vst v63  }
0x71: {  	s24 =	simm.s32 $0xE000  }
0x72: {  	[hbm4b:s2+s15] =	stream.strided.scatter [tilespmem:s24], [sflag:$0x1], $0x800, s17, s15, $0x38;
	[tilespmem:$0x1C000] =	vst v63  }
0x73: {  	s22 =	simm.s32 $0xE800  }
0x74: {  	[hbm4b:s4+s15] =	stream.strided.scatter [tilespmem:s22], [sflag:$0x1], $0x800, s17, s15, $0x38;
	[tilespmem:$0x1C000] =	vst v63  }
0x75: {  	s23 =	simm.s32 $0xF000  }
0x76: {  	[hbm4b:s5+s15] =	stream.strided.scatter [tilespmem:s23], [sflag:$0x1], $0x800, s17, s15, $0x38;
	[tilespmem:$0x1C000] =	vst v63  }
0x77: {  	s24 =	simm.s32 $0xF800  }
0x78: {  	[hbm4b:s6+s15] =	stream.strided.scatter [tilespmem:s24], [sflag:$0x1], $0x800, s17, s15, $0x38;
	[tilespmem:$0x1C000] =	vst v63  }
0x79: {  	s22 =	simm.s32 $0x10000  }
0x7a: {  	[hbm4b:s7+s15] =	stream.strided.scatter [tilespmem:s22], [sflag:$0x1], $0x800, s17, s15, $0x38;
	[tilespmem:$0x1C000] =	vst v63  }
0x7b: {  	s23 =	simm.s32 $0x10800  }
0x7c: {  	[hbm4b:s8+s15] =	stream.strided.scatter [tilespmem:s23], [sflag:$0x1], $0x800, s17, s15, $0x38;
	[tilespmem:$0x1C000] =	vst v63  }
0x7d: {  	s24 =	simm.s32 $0x11000  }
0x7e: {  	[hbm4b:s10+s15] =	stream.strided.scatter [tilespmem:s24], [sflag:$0x1], $0x800, s17, s15, $0x38;
	[tilespmem:$0x1C000] =	vst v63  }
0x7f: {  	s22 =	simm.s32 $0x11800  }
0x80: {  	[hbm4b:s11+s15] =	stream.strided.scatter [tilespmem:s22], [sflag:$0x1], $0x800, s17, s15, $0x38;
	[tilespmem:$0x1C000] =	vst v63  }
0x81: {  	s23 =	simm.s32 $0x12000  }
0x82: {  	[hbm4b:s12+s15] =	stream.strided.scatter [tilespmem:s23], [sflag:$0x1], $0x800, s17, s15, $0x38;
	[tilespmem:$0x1C000] =	vst v63  }
0x83: {  	s24 =	simm.s32 $0x12800  }
0x84: {  	[hbm4b:s13+s15] =	stream.strided.scatter [tilespmem:s24], [sflag:$0x1], $0x800, s17, s15, $0x38;
	[tilespmem:$0x1C000] =	vst v63  }
0x85: {  	_ =	swait.ge [sflag:s19], $0x800  }
0x86: {  	[sflag:s19] =	ssyncset.done $0x0  }
0x87: {  	[sflag:s19] =	ssyncadd.s32 $0xFFFFF800  }
0x88: {  	_ =	swait.ge [sflag:s19], $0x800  }
0x89: {  	[sflag:s19] =	ssyncset.done $0x0  }
0x8a: {  	[sflag:s19] =	ssyncadd.s32 $0xFFFFF800  }
0x8b: {  	_ =	swait.ge [sflag:s19], $0x800  }
0x8c: {  	[sflag:s19] =	ssyncset.done $0x0  }
0x8d: {  	[sflag:s19] =	ssyncadd.s32 $0xFFFFF800  }
0x8e: {  	_ =	swait.ge [sflag:s19], $0x800  }
0x8f: {  	[sflag:s19] =	ssyncset.done $0x0  }
0x90: {  	[sflag:s19] =	ssyncadd.s32 $0xFFFFF800  }
0x91: {  	_ =	swait.ge [sflag:s19], $0x800  }
0x92: {  	[sflag:s19] =	ssyncset.done $0x0  }
0x93: {  	[sflag:s19] =	ssyncadd.s32 $0xFFFFF800  }
0x94: {  	_ =	swait.ge [sflag:s19], $0x800  }
0x95: {  	[sflag:s19] =	ssyncset.done $0x0  }
0x96: {  	[sflag:s19] =	ssyncadd.s32 $0xFFFFF800  }
0x97: {  	_ =	swait.ge [sflag:s19], $0x800  }
0x98: {  	[sflag:s19] =	ssyncset.done $0x0  }
0x99: {  	[sflag:s19] =	ssyncadd.s32 $0xFFFFF800  }
0x9a: {  	_ =	swait.ge [sflag:s19], $0x800  }
0x9b: {  	[sflag:s19] =	ssyncset.done $0x0  }
0x9c: {  	[sflag:s19] =	ssyncadd.s32 $0xFFFFF800  }
0x9d: {  	_ =	swait.ge [sflag:s19], $0x800  }
0x9e: {  	[sflag:s19] =	ssyncset.done $0x0  }
0x9f: {  	[sflag:s19] =	ssyncadd.s32 $0xFFFFF800  }
0xa0: {  	_ =	swait.ge [sflag:s19], $0x800  }
0xa1: {  	[sflag:s19] =	ssyncset.done $0x0  }
0xa2: {  	[sflag:s19] =	ssyncadd.s32 $0xFFFFF800  }
0xa3: {  	_ =	swait.ge [sflag:s19], $0x800  }
0xa4: {  	[sflag:s19] =	ssyncset.done $0x0  }
0xa5: {  	[sflag:s19] =	ssyncadd.s32 $0xFFFFF800  }
0xa6: {  	_ =	swait.ge [sflag:s19], $0x800  }
0xa7: {  	[sflag:s19] =	ssyncset.done $0x0  }
0xa8: {  	[sflag:s19] =	ssyncadd.s32 $0xFFFFF800  }
0xa9: {  	_ =	swait.ge [sflag:s19], $0x800  }
0xaa: {  	[sflag:s19] =	ssyncset.done $0x0  }
0xab: {  	[sflag:s19] =	ssyncadd.s32 $0xFFFFF800  }
0xac: {  	_ =	swait.ge [sflag:s19], $0x800  }
0xad: {  	[sflag:s19] =	ssyncset.done $0x0  }
0xae: {  	[sflag:s19] =	ssyncadd.s32 $0xFFFFF800  }
0xaf: {  	_ =	swait.ge [sflag:s19], $0x800  }
0xb0: {  	[sflag:s19] =	ssyncset.done $0x0  }
0xb1: {  	[sflag:s19] =	ssyncadd.s32 $0xFFFFF800  }
0xb2: {  	_ =	swait.ge [sflag:s19], $0x800  }
0xb3: {  	[sflag:s19] =	ssyncset.done $0x0  }
0xb4: {  	[sflag:s19] =	ssyncadd.s32 $0xFFFFF800  }
0xb5: {  	_ =	swait.ge [sflag:s19], $0x800  }
0xb6: {  	[sflag:s19] =	ssyncset.done $0x0  }
0xb7: {  	[sflag:s19] =	ssyncadd.s32 $0xFFFFF800  }
0xb8: {  	_ =	swait.ge [sflag:s19], $0x800  }
0xb9: {  	[sflag:s19] =	ssyncset.done $0x0  }
0xba: {  	[sflag:s19] =	ssyncadd.s32 $0xFFFFF800  }
0xbb: {  	_ =	swait.ge [sflag:s19], $0x800  }
0xbc: {  	[sflag:s19] =	ssyncset.done $0x0  }
0xbd: {  	[sflag:s19] =	ssyncadd.s32 $0xFFFFF800  }
0xbe: {  	_ =	swait.ge [sflag:s19], $0x800  }
0xbf: {  	[sflag:s19] =	ssyncset.done $0x0  }
0xc0: {  	[sflag:s19] =	ssyncadd.s32 $0xFFFFF800  }
0xc1: {  	_ =	swait.ge [sflag:s19], $0x800  }
0xc2: {  	[sflag:s19] =	ssyncset.done $0x0  }
0xc3: {  	[sflag:s19] =	ssyncadd.s32 $0xFFFFF800  }
0xc4: {  	_ =	swait.ge [sflag:s19], $0x800  }
0xc5: {  	[sflag:s19] =	ssyncset.done $0x0  }
0xc6: {  	[sflag:s19] =	ssyncadd.s32 $0xFFFFF800  }
0xc7: {  	_ =	swait.ge [sflag:s19], $0x800  }
0xc8: {  	[sflag:s19] =	ssyncset.done $0x0  }
0xc9: {  	[sflag:s19] =	ssyncadd.s32 $0xFFFFF800  }
0xca: {  	_ =	swait.ge [sflag:s19], $0x800  }
0xcb: {  	[sflag:s19] =	ssyncset.done $0x0  }
0xcc: {  	[sflag:s19] =	ssyncadd.s32 $0xFFFFF800  }
0xcd: {  	_ =	swait.ge [sflag:s19], $0x800  }
0xce: {  	[sflag:s19] =	ssyncset.done $0x0  }
0xcf: {  	[sflag:s19] =	ssyncadd.s32 $0xFFFFF800  }
0xd0: {  	_ =	swait.ge [sflag:s19], $0x800  }
0xd1: {  	[sflag:s19] =	ssyncset.done $0x0  }
0xd2: {  	[sflag:s19] =	ssyncadd.s32 $0xFFFFF800  }
0xd3: {  	_ =	swait.ge [sflag:s19], $0x800  }
0xd4: {  	[sflag:s19] =	ssyncset.done $0x0  }
0xd5: {  	[sflag:s19] =	ssyncadd.s32 $0xFFFFF800  }
0xd6: {  	_ =	swait.ge [sflag:s19], $0x800  }
0xd7: {  	[sflag:s19] =	ssyncset.done $0x0  }
0xd8: {  	[sflag:s19] =	ssyncadd.s32 $0xFFFFF800  }
0xd9: {  	_ =	swait.ge [sflag:s19], $0x800  }
0xda: {  	[sflag:s19] =	ssyncset.done $0x0  }
0xdb: {  	[sflag:s19] =	ssyncadd.s32 $0xFFFFF800  }
0xdc: {  	_ =	swait.ge [sflag:s19], $0x800  }
0xdd: {  	[sflag:s19] =	ssyncset.done $0x0  }
0xde: {  	[sflag:s19] =	ssyncadd.s32 $0xFFFFF800  }
0xdf: {  	_ =	swait.ge [sflag:s19], $0x800  }
0xe0: {  	[sflag:s19] =	ssyncset.done $0x0  }
0xe1: {  	[sflag:s19] =	ssyncadd.s32 $0xFFFFF800  }
0xe2: {  	_ =	swait.ge [sflag:s19], $0x800  }
0xe3: {  	[sflag:s19] =	ssyncset.done $0x0  }
0xe4: {  	[sflag:s19] =	ssyncadd.s32 $0xFFFFF800  }
0xe5: {  	_ =	swait.ge [sflag:s19], $0x800  }
0xe6: {  	[sflag:s19] =	ssyncset.done $0x0  }
0xe7: {  	[sflag:s19] =	ssyncadd.s32 $0xFFFFF800  }
0xe8: {  	_ =	swait.ge [sflag:s19], $0x800  }
0xe9: {  	[sflag:s19] =	ssyncset.done $0x0  }
0xea: {  	[sflag:s19] =	ssyncadd.s32 $0xFFFFF800  }
0xeb: {  	_ =	swait.ge [sflag:s19], $0x800  }
0xec: {  	[sflag:s19] =	ssyncset.done $0x0  }
0xed: {  	[sflag:s19] =	ssyncadd.s32 $0xFFFFF800  }
0xee: {  	_ =	swait.ge [sflag:s19], $0x800  }
0xef: {  	[sflag:s19] =	ssyncset.done $0x0  }
0xf0: {  	s20 =	sadd.s32 $0x1, s20;
	[sflag:s19] =	ssyncadd.s32 $0xFFFFF800  }
0xf1: {  	p0 =	sne.s32 s20, s14;
	_ =	swait.ge [sflag:s19], $0x800  }
.Ltmp1:
0xf2: {  	[sflag:s19] =	ssyncset.done $0x0;
	(pc) =	sbr.rel @p0 .LBB2_1-.Ltmp1, $4  }
0xf3: {  	[sflag:s19] =	ssyncadd.s32 $0xFFFFF800  }
0xf4: {  	_ =	swait.ge [sflag:s19], $0x800  }
0xf5: {  	[sflag:s19] =	ssyncset.done $0x0  }
0xf6: {  	[sflag:s19] =	ssyncadd.s32 $0xFFFFF800  }
0xf7: {  	_ =	sfence.sel $0x180000  }
0xf8: {  	[bflag:$0x0] =	sbarrier.arrive $0xFFFF  }
0xf9: {  	_ =	strace $0x90000047  }
0xfa: {  	s0 =	stileid.u32;
	[bflag:$0x2] =	sbarrier.arrive $0xFFFF  }
0xfb: {  	p0 =	sne.s32 s0, $0x0;
	s0 =	rddreg [dreg:$0x1]  }
0xfc: {  	s0 =	sadd.s32 @!p0 $0x100000, s0  }
0xfd: {  	[sflag:s0] =	ssyncadd.tile.s32 @!p0 $0x1;
	_ =	shalt  }
.Lfunc_end2:
_tile_overlayer_lowered:
.L_overlay_start_2:
0xfe: {  	(tag) =	ssettag $0x2  }
0xff: {  	s0 =	rddreg [dreg:$0x0];
	s2 =	stileid.u32  }
0x100: {  	s1 =	rddreg [dreg:$0x1];
	p0 =	sne.s32 s2, $0x0  }
0x101: {  	s3 =	rddreg [dreg:$0x2];
	[bflag:$0x3] =	sbarrier.arrive $0xFFFF;
	s2 =	simm.s32 @!p0 $0x1C02  }
0x102: {  	[timem:s3], [sflag:s2] =	dma.local @!p0 [hbm:s0], s1  }
0x103: {  	s0 =	simm.s32 @!p0 $0x2  }
0x104: {  	_ =	swait.ge @!p0 [sflag:s0], s1  }
0x105: {  	s1 =	ssub.s32 @!p0 $0x0, s1;
	[sflag:s0] =	ssyncset.done @!p0 $0x0  }
0x106: {  	[sflag:s0] =	ssyncadd.s32 @!p0 s1  }
0x107: {  	[bflag:$0x3] =	sbarrier.arrive $0xFFFF  }
0x108: {  	_ =	shalt  }

</sc_bundles>
